<compile_context>
chip_gen: v7x
topology: tpu7x:2x2x1
jax: 0.10.2.dev20260603
libtpu: 0.0.44.dev20260713+nightly
codegen_flags: <defaults>
</compile_context>

<pallas_src>
import functools

import jax
import jax.numpy as jnp
from jax import lax
from jax.experimental import pallas as pl
from jax.experimental.pallas import tpu as pltpu
from jax.experimental.pallas import tpu_sc as plsc

K_POOL, E = 4, 8
EPS = 1e-6
_NEG = -1.0


def _prep_kernel(x_ref, lnpre_ref, router_ref, h_ref, logits_ref):
    n, in_dim = h_ref.shape
    hf = x_ref[...].reshape(n, in_dim)
    var = jnp.mean(hf * hf, axis=-1, keepdims=True)
    hf = hf * lax.rsqrt(var + EPS) * lnpre_ref[...]
    h_ref[...] = hf
    logits = jnp.dot(hf, router_ref[...],
                     preferred_element_type=jnp.float32)
    logits_ref[...] = logits.T


def _sc_router(logits_hbm, comb_hbm, lg_v, out_v):
    wid = lax.axis_index("s") * 2 + lax.axis_index("c")
    base = wid * 16
    for e in range(E):
        pltpu.sync_copy(logits_hbm.at[e, pl.ds(base, 16)], lg_v.at[e])
    vs = [lg_v[e] for e in range(E)]
    m = vs[0]
    for e in range(1, E):
        m = jnp.maximum(m, vs[e])
    ps = [jnp.exp(v - m) for v in vs]
    m1 = ps[0]
    for e in range(1, E):
        m1 = jnp.maximum(m1, ps[e])
    i1 = jnp.full((16,), E - 1, jnp.int32)
    for e in range(E - 1, -1, -1):
        i1 = jnp.where(ps[e] == m1, e, i1)
    p2s = [jnp.where(i1 == e, _NEG, ps[e]) for e in range(E)]
    m2 = p2s[0]
    for e in range(1, E):
        m2 = jnp.maximum(m2, p2s[e])
    i2 = jnp.full((16,), E - 1, jnp.int32)
    for e in range(E - 1, -1, -1):
        i2 = jnp.where(p2s[e] == m2, e, i2)
    s = m1 + m2
    w1 = m1 / s
    w2 = m2 / s
    for e in range(E):
        out_v[e] = (jnp.where(i1 == e, w1, 0.0)
                    + jnp.where(i2 == e, w2, 0.0))
        pltpu.sync_copy(out_v.at[e], comb_hbm.at[e, pl.ds(base, 16)])


def _swiglu_acc(h, w, gw, uw, dw, acc_ref, init):
    g = jnp.dot(h, gw, preferred_element_type=jnp.float32)
    u = jnp.dot(h, uw, preferred_element_type=jnp.float32)
    a = (jax.nn.silu(g) * u) * w
    contrib = jnp.dot(a, dw, preferred_element_type=jnp.float32)

    @pl.when(init)
    def _():
        acc_ref[...] = contrib

    @pl.when(jnp.logical_not(init))
    def _():
        acc_ref[...] += contrib


def _moe_kernel(h_ref, comb_ref, shg_ref, shu_ref, shd_ref,
                eg_ref, eu_ref, ed_ref, ls_ref, lnpost_ref, out_ref,
                acc_ref, ct_ref):
    e = pl.program_id(0)

    @pl.when(e == 0)
    def _shared():
        ct_ref[...] = comb_ref[...].T
        _swiglu_acc(h_ref[...], 1.0, shg_ref[...], shu_ref[...],
                    shd_ref[...], acc_ref, True)

    @pl.when(e > 0)
    def _routed():
        ex = e - 1
        lane = lax.broadcasted_iota(jnp.int32, ct_ref.shape, 1)
        w_e = jnp.sum(ct_ref[...] * (lane == ex).astype(jnp.float32),
                      axis=-1, keepdims=True)
        _swiglu_acc(h_ref[...], w_e, eg_ref[0], eu_ref[0], ed_ref[0],
                    acc_ref, False)

    @pl.when(e == E)
    def _epilogue():
        o = acc_ref[...] * ls_ref[...]
        var = jnp.mean(o * o, axis=-1, keepdims=True)
        out_ref[...] = o * lax.rsqrt(var + EPS) * lnpost_ref[...]


@jax.jit
def kernel(x, ln_pre_w, router_w, sh_gate, sh_up, sh_down, eg, eu, ed,
           layer_scale, ln_post_w):
    b, t, d = x.shape
    t2 = (t // K_POOL) * K_POOL
    n = t2 // K_POOL
    in_dim = d * K_POOL
    xs = x.reshape(t, d)[:t2]

    out_dim = sh_down.shape[-1]
    hid = sh_gate.shape[-1]
    n_e = eg.shape[0]

    h, logits = pl.pallas_call(
        _prep_kernel,
        in_specs=[
            pl.BlockSpec((t2, d), lambda: (0, 0)),
            pl.BlockSpec((1, in_dim), lambda: (0, 0)),
            pl.BlockSpec((in_dim, n_e), lambda: (0, 0)),
        ],
        out_specs=[
            pl.BlockSpec((n, in_dim), lambda: (0, 0)),
            pl.BlockSpec((n_e, n), lambda: (0, 0)),
        ],
        out_shape=[
            jax.ShapeDtypeStruct((n, in_dim), jnp.float32),
            jax.ShapeDtypeStruct((n_e, n), jnp.float32),
        ],
    )(xs, ln_pre_w.reshape(1, in_dim), router_w)

    mesh = plsc.VectorSubcoreMesh(core_axis_name="c", subcore_axis_name="s")
    comb = functools.partial(
        pl.kernel,
        mesh=mesh,
        out_type=jax.ShapeDtypeStruct((n_e, n), jnp.float32),
        scratch_types=[
            pltpu.VMEM((n_e, 16), jnp.float32),
            pltpu.VMEM((n_e, 16), jnp.float32),
        ],
    )(_sc_router)(logits)

    whole = lambda s: pl.BlockSpec(s, lambda e: (0,) * len(s))
    grid_spec = pltpu.PrefetchScalarGridSpec(
        num_scalar_prefetch=0,
        grid=(n_e + 1,),
        in_specs=[
            whole((n, in_dim)),
            whole((n_e, n)),
            whole((in_dim, hid)),
            whole((in_dim, hid)),
            whole((hid, out_dim)),
            pl.BlockSpec((1, in_dim, hid),
                         lambda e: (jnp.maximum(e - 1, 0), 0, 0)),
            pl.BlockSpec((1, in_dim, hid),
                         lambda e: (jnp.maximum(e - 1, 0), 0, 0)),
            pl.BlockSpec((1, hid, out_dim),
                         lambda e: (jnp.maximum(e - 1, 0), 0, 0)),
            whole((1, out_dim)),
            whole((1, out_dim)),
        ],
        out_specs=whole((n, out_dim)),
        scratch_shapes=[
            pltpu.VMEM((n, out_dim), jnp.float32),
            pltpu.VMEM((n, n_e), jnp.float32),
        ],
    )
    out = pl.pallas_call(
        _moe_kernel,
        grid_spec=grid_spec,
        out_shape=jax.ShapeDtypeStruct((n, out_dim), jnp.float32),
        compiler_params=pltpu.CompilerParams(
            dimension_semantics=("arbitrary",),
        ),
    )(h, comb, sh_gate, sh_up, sh_down, eg, eu, ed,
      layer_scale.reshape(1, out_dim), ln_post_w.reshape(1, out_dim))
    return out.reshape(b, n, out_dim)

# --- scband reference (transcript-rebuilt; emitter-appended) ---
"""Pipeline reference for scband-shared-mo-eaudio-projector-18502719111703 (READ-ONLY COPY).

The authoritative reference and input builder live on the scoring server;
editing this copy changes nothing except your own understanding.
"""

import jax, jax.numpy as jnp
import numpy as np

B, T, D = 1, 2048, 512
K_POOL, E, TOPK = 4, 8, 2
IN_DIM, HID, OUT = D * K_POOL, 512, 1024
EPS = 1e-6


def setup_inputs(seed: int = 0) -> dict:
    key = jax.random.key(seed)
    ks = jax.random.split(key, 10)
    std = 1.0 / IN_DIM ** 0.5
    down_std = std / 2.0
    return {
        "x": jax.random.normal(ks[0], (B, T, D), dtype=jnp.float32),
        "ln_pre_w": jnp.ones((IN_DIM,), dtype=jnp.float32),
        "router_w": jax.random.normal(ks[1], (IN_DIM, E), dtype=jnp.float32) * 0.02,
        "sh_gate": jax.random.normal(ks[2], (IN_DIM, HID), dtype=jnp.float32) * std,
        "sh_up": jax.random.normal(ks[3], (IN_DIM, HID), dtype=jnp.float32) * std,
        "sh_down": jax.random.normal(ks[4], (HID, OUT), dtype=jnp.float32) * down_std,
        "eg": jax.random.normal(ks[5], (E, IN_DIM, HID), dtype=jnp.float32) * std,
        "eu": jax.random.normal(ks[6], (E, IN_DIM, HID), dtype=jnp.float32) * std,
        "ed": jax.random.normal(ks[7], (E, HID, OUT), dtype=jnp.float32) * down_std,
        "layer_scale": jnp.ones((OUT,), dtype=jnp.float32) * 1e-4,
        "ln_post_w": jnp.ones((OUT,), dtype=jnp.float32),
    }


def _rmsnorm(h, w, eps=EPS):
    hf = h.astype(jnp.float32)
    var = jnp.mean(hf * hf, axis=-1, keepdims=True)
    hf = hf * jax.lax.rsqrt(var + eps)
    return w * hf


def reference(x, ln_pre_w, router_w, sh_gate, sh_up, sh_down, eg, eu, ed, layer_scale, ln_post_w):
    b, t, d = x.shape
    t2 = (t // K_POOL) * K_POOL
    h = x[:, :t2, :].reshape(b, t2 // K_POOL, d * K_POOL)  # stack-pool k frames
    h = _rmsnorm(h, ln_pre_w)
    # shared expert (SwiGLU) on all tokens
    shared = (jax.nn.silu(h @ sh_gate) * (h @ sh_up)) @ sh_down
    # router
    flat = h.reshape(-1, d * K_POOL)  # [N, in_dim]
    router_logits = flat @ router_w  # [N, E]
    router_probs = jax.nn.softmax(router_logits.astype(jnp.float32), axis=-1)
    tkw, tki = jax.lax.top_k(router_probs, TOPK)  # [N, K]
    tkw = tkw / jnp.sum(tkw, axis=-1, keepdims=True)
    tkw = tkw.astype(flat.dtype)
    # routed experts: dense-masked form, mathematically identical to the
    # token-dispatch loop (unassigned token contributions get weight 0)
    gate = jnp.einsum('nd,edh->enh', flat, eg)
    up = jnp.einsum('nd,edh->enh', flat, eu)
    eo = jnp.einsum('enh,eho->eno', jax.nn.silu(gate) * up, ed)  # [E, N, out]
    onehot = jax.nn.one_hot(tki, E, dtype=flat.dtype)  # [N, K, E]
    comb = jnp.einsum('nk,nke->en', tkw, onehot)  # [E, N] combine weights
    routed = jnp.einsum('en,eno->no', comb, eo)  # scatter-add over slots
    routed = routed.reshape(b, t2 // K_POOL, -1)
    out = (shared + routed) * layer_scale
    out = _rmsnorm(out, ln_post_w)
    return out


if False:  # reference __main__ guard neutralized (emitter)
    inp = setup_inputs()
    o = reference(**inp)
    print(o.shape, o.dtype)

if __name__ == "__main__":
    import jax
    _d = setup_inputs()
    print(jax.jit(kernel)(*tuple(_d.values())))

</pallas_src>

<mosaic_0001>
#map = affine_map<(d0, d1) -> (0, 0)>
module attributes {stable_mosaic.version = 14 : i64} {
  func.func @_sc_router(%arg0: i32, %arg1: i32, %arg2: memref<8x512xf32, #tpu.memory_space<hbm>>, %arg3: memref<8x512xf32, #tpu.memory_space<hbm>>, %arg4: memref<8x16xf32, #tpu.memory_space<vmem>>, %arg5: memref<8x16xf32, #tpu.memory_space<vmem>>) attributes {dimension_semantics = [#tpu.dimension_semantics<core_parallel>, #tpu.dimension_semantics<subcore_parallel>], iteration_bounds = array<i64: 2, 16>, scalar_prefetch = 0 : i64, scratch_operands = 2 : i64, tpu.core_type = #tpu.core_type<sc_vector_subcore>, window_params = [{transform_indices = #map}, {transform_indices = #map}]} {
    %mul3A = arith.constant 2 : i32
    %mul3A_0 = arith.muli %arg1, %mul3A : i32
    %add3A = arith.addi %mul3A_0, %arg0 : i32
    %mul3A_1 = arith.constant 16 : i32
    %mul3A_2 = arith.muli %add3A, %mul3A_1 : i32
    %run_scoped3A = arith.constant 0 : i32
    %run_scoped3A_3 = arith.constant 0 : i32
    "tpu.region"() ({
      %run_scoped3A_372 = tpu.sem_alloc : memref<!tpu.dma_semaphore, #tpu.memory_space<semaphore_mem>>
      %dma_start3A = arith.constant 0 : i32
      %dma_start3A_373 = tpu.memref_slice %arg4[%run_scoped3A_3, %dma_start3A] : memref<8x16xf32, #tpu.memory_space<vmem>> -> memref<1x16xf32, #tpu.memory_space<vmem>>
      %dma_start3A_374 = tpu.memref_squeeze %dma_start3A_373 : memref<1x16xf32, #tpu.memory_space<vmem>> -> memref<16xf32, #tpu.memory_space<vmem>>
      %dma_start3A_375 = tpu.memref_slice %arg2[%run_scoped3A, %mul3A_2] : memref<8x512xf32, #tpu.memory_space<hbm>> -> memref<1x16xf32, #tpu.memory_space<hbm>>
      %dma_start3A_376 = tpu.memref_squeeze %dma_start3A_375 : memref<1x16xf32, #tpu.memory_space<hbm>> -> memref<16xf32, #tpu.memory_space<hbm>>
      %dma_start3A_377 = arith.constant 0 : i32
      %dma_start3A_378 = tpu.memref_slice %arg4[%run_scoped3A_3, %dma_start3A_377] : memref<8x16xf32, #tpu.memory_space<vmem>> -> memref<1x16xf32, #tpu.memory_space<vmem>>
      %dma_start3A_379 = tpu.memref_squeeze %dma_start3A_378 : memref<1x16xf32, #tpu.memory_space<vmem>> -> memref<16xf32, #tpu.memory_space<vmem>>
      %dma_start3A_380 = tpu.memref_slice %arg2[%run_scoped3A, %mul3A_2] : memref<8x512xf32, #tpu.memory_space<hbm>> -> memref<1x16xf32, #tpu.memory_space<hbm>>
      %dma_start3A_381 = tpu.memref_squeeze %dma_start3A_380 : memref<1x16xf32, #tpu.memory_space<hbm>> -> memref<16xf32, #tpu.memory_space<hbm>>
      tpu.enqueue_dma source(%dma_start3A_381 : memref<16xf32, #tpu.memory_space<hbm>>) target(%dma_start3A_379 : memref<16xf32, #tpu.memory_space<vmem>>) target_semaphore(%run_scoped3A_372 : memref<!tpu.dma_semaphore, #tpu.memory_space<semaphore_mem>>)
      %dma_wait3A = arith.constant 0 : i32
      %dma_wait3A_382 = tpu.memref_slice %arg4[%run_scoped3A_3, %dma_wait3A] : memref<8x16xf32, #tpu.memory_space<vmem>> -> memref<1x16xf32, #tpu.memory_space<vmem>>
      %dma_wait3A_383 = tpu.memref_squeeze %dma_wait3A_382 : memref<1x16xf32, #tpu.memory_space<vmem>> -> memref<16xf32, #tpu.memory_space<vmem>>
      %dma_wait3A_384 = tpu.memref_slice %arg2[%run_scoped3A, %mul3A_2] : memref<8x512xf32, #tpu.memory_space<hbm>> -> memref<1x16xf32, #tpu.memory_space<hbm>>
      %dma_wait3A_385 = tpu.memref_squeeze %dma_wait3A_384 : memref<1x16xf32, #tpu.memory_space<hbm>> -> memref<16xf32, #tpu.memory_space<hbm>>
      %dma_wait3A_386 = arith.constant 0 : i32
      %dma_wait3A_387 = tpu.memref_slice %arg4[%run_scoped3A_3, %dma_wait3A_386] : memref<8x16xf32, #tpu.memory_space<vmem>> -> memref<1x16xf32, #tpu.memory_space<vmem>>
      %dma_wait3A_388 = tpu.memref_squeeze %dma_wait3A_387 : memref<1x16xf32, #tpu.memory_space<vmem>> -> memref<16xf32, #tpu.memory_space<vmem>>
      %dma_wait3A_389 = tpu.memref_slice %arg2[%run_scoped3A, %mul3A_2] : memref<8x512xf32, #tpu.memory_space<hbm>> -> memref<1x16xf32, #tpu.memory_space<hbm>>
      %dma_wait3A_390 = tpu.memref_squeeze %dma_wait3A_389 : memref<1x16xf32, #tpu.memory_space<hbm>> -> memref<16xf32, #tpu.memory_space<hbm>>
      tpu.wait_dma2 semaphore(%run_scoped3A_372 : memref<!tpu.dma_semaphore, #tpu.memory_space<semaphore_mem>>) src(%dma_wait3A_390 : memref<16xf32, #tpu.memory_space<hbm>>) dst(%dma_wait3A_388 : memref<16xf32, #tpu.memory_space<vmem>>)
      tpu.yield
    }) : () -> ()
    %run_scoped3A_4 = arith.constant 1 : i32
    %run_scoped3A_5 = arith.constant 1 : i32
    "tpu.region"() ({
      %run_scoped3A_372 = tpu.sem_alloc : memref<!tpu.dma_semaphore, #tpu.memory_space<semaphore_mem>>
      %dma_start3A = arith.constant 0 : i32
      %dma_start3A_373 = tpu.memref_slice %arg4[%run_scoped3A_5, %dma_start3A] : memref<8x16xf32, #tpu.memory_space<vmem>> -> memref<1x16xf32, #tpu.memory_space<vmem>>
      %dma_start3A_374 = tpu.memref_squeeze %dma_start3A_373 : memref<1x16xf32, #tpu.memory_space<vmem>> -> memref<16xf32, #tpu.memory_space<vmem>>
      %dma_start3A_375 = tpu.memref_slice %arg2[%run_scoped3A_4, %mul3A_2] : memref<8x512xf32, #tpu.memory_space<hbm>> -> memref<1x16xf32, #tpu.memory_space<hbm>>
      %dma_start3A_376 = tpu.memref_squeeze %dma_start3A_375 : memref<1x16xf32, #tpu.memory_space<hbm>> -> memref<16xf32, #tpu.memory_space<hbm>>
      %dma_start3A_377 = arith.constant 0 : i32
      %dma_start3A_378 = tpu.memref_slice %arg4[%run_scoped3A_5, %dma_start3A_377] : memref<8x16xf32, #tpu.memory_space<vmem>> -> memref<1x16xf32, #tpu.memory_space<vmem>>
      %dma_start3A_379 = tpu.memref_squeeze %dma_start3A_378 : memref<1x16xf32, #tpu.memory_space<vmem>> -> memref<16xf32, #tpu.memory_space<vmem>>
      %dma_start3A_380 = tpu.memref_slice %arg2[%run_scoped3A_4, %mul3A_2] : memref<8x512xf32, #tpu.memory_space<hbm>> -> memref<1x16xf32, #tpu.memory_space<hbm>>
      %dma_start3A_381 = tpu.memref_squeeze %dma_start3A_380 : memref<1x16xf32, #tpu.memory_space<hbm>> -> memref<16xf32, #tpu.memory_space<hbm>>
      tpu.enqueue_dma source(%dma_start3A_381 : memref<16xf32, #tpu.memory_space<hbm>>) target(%dma_start3A_379 : memref<16xf32, #tpu.memory_space<vmem>>) target_semaphore(%run_scoped3A_372 : memref<!tpu.dma_semaphore, #tpu.memory_space<semaphore_mem>>)
      %dma_wait3A = arith.constant 0 : i32
      %dma_wait3A_382 = tpu.memref_slice %arg4[%run_scoped3A_5, %dma_wait3A] : memref<8x16xf32, #tpu.memory_space<vmem>> -> memref<1x16xf32, #tpu.memory_space<vmem>>
      %dma_wait3A_383 = tpu.memref_squeeze %dma_wait3A_382 : memref<1x16xf32, #tpu.memory_space<vmem>> -> memref<16xf32, #tpu.memory_space<vmem>>
      %dma_wait3A_384 = tpu.memref_slice %arg2[%run_scoped3A_4, %mul3A_2] : memref<8x512xf32, #tpu.memory_space<hbm>> -> memref<1x16xf32, #tpu.memory_space<hbm>>
      %dma_wait3A_385 = tpu.memref_squeeze %dma_wait3A_384 : memref<1x16xf32, #tpu.memory_space<hbm>> -> memref<16xf32, #tpu.memory_space<hbm>>
      %dma_wait3A_386 = arith.constant 0 : i32
      %dma_wait3A_387 = tpu.memref_slice %arg4[%run_scoped3A_5, %dma_wait3A_386] : memref<8x16xf32, #tpu.memory_space<vmem>> -> memref<1x16xf32, #tpu.memory_space<vmem>>
      %dma_wait3A_388 = tpu.memref_squeeze %dma_wait3A_387 : memref<1x16xf32, #tpu.memory_space<vmem>> -> memref<16xf32, #tpu.memory_space<vmem>>
      %dma_wait3A_389 = tpu.memref_slice %arg2[%run_scoped3A_4, %mul3A_2] : memref<8x512xf32, #tpu.memory_space<hbm>> -> memref<1x16xf32, #tpu.memory_space<hbm>>
      %dma_wait3A_390 = tpu.memref_squeeze %dma_wait3A_389 : memref<1x16xf32, #tpu.memory_space<hbm>> -> memref<16xf32, #tpu.memory_space<hbm>>
      tpu.wait_dma2 semaphore(%run_scoped3A_372 : memref<!tpu.dma_semaphore, #tpu.memory_space<semaphore_mem>>) src(%dma_wait3A_390 : memref<16xf32, #tpu.memory_space<hbm>>) dst(%dma_wait3A_388 : memref<16xf32, #tpu.memory_space<vmem>>)
      tpu.yield
    }) : () -> ()
    %run_scoped3A_6 = arith.constant 2 : i32
    %run_scoped3A_7 = arith.constant 2 : i32
    "tpu.region"() ({
      %run_scoped3A_372 = tpu.sem_alloc : memref<!tpu.dma_semaphore, #tpu.memory_space<semaphore_mem>>
      %dma_start3A = arith.constant 0 : i32
      %dma_start3A_373 = tpu.memref_slice %arg4[%run_scoped3A_7, %dma_start3A] : memref<8x16xf32, #tpu.memory_space<vmem>> -> memref<1x16xf32, #tpu.memory_space<vmem>>
      %dma_start3A_374 = tpu.memref_squeeze %dma_start3A_373 : memref<1x16xf32, #tpu.memory_space<vmem>> -> memref<16xf32, #tpu.memory_space<vmem>>
      %dma_start3A_375 = tpu.memref_slice %arg2[%run_scoped3A_6, %mul3A_2] : memref<8x512xf32, #tpu.memory_space<hbm>> -> memref<1x16xf32, #tpu.memory_space<hbm>>
      %dma_start3A_376 = tpu.memref_squeeze %dma_start3A_375 : memref<1x16xf32, #tpu.memory_space<hbm>> -> memref<16xf32, #tpu.memory_space<hbm>>
      %dma_start3A_377 = arith.constant 0 : i32
      %dma_start3A_378 = tpu.memref_slice %arg4[%run_scoped3A_7, %dma_start3A_377] : memref<8x16xf32, #tpu.memory_space<vmem>> -> memref<1x16xf32, #tpu.memory_space<vmem>>
      %dma_start3A_379 = tpu.memref_squeeze %dma_start3A_378 : memref<1x16xf32, #tpu.memory_space<vmem>> -> memref<16xf32, #tpu.memory_space<vmem>>
      %dma_start3A_380 = tpu.memref_slice %arg2[%run_scoped3A_6, %mul3A_2] : memref<8x512xf32, #tpu.memory_space<hbm>> -> memref<1x16xf32, #tpu.memory_space<hbm>>
      %dma_start3A_381 = tpu.memref_squeeze %dma_start3A_380 : memref<1x16xf32, #tpu.memory_space<hbm>> -> memref<16xf32, #tpu.memory_space<hbm>>
      tpu.enqueue_dma source(%dma_start3A_381 : memref<16xf32, #tpu.memory_space<hbm>>) target(%dma_start3A_379 : memref<16xf32, #tpu.memory_space<vmem>>) target_semaphore(%run_scoped3A_372 : memref<!tpu.dma_semaphore, #tpu.memory_space<semaphore_mem>>)
      %dma_wait3A = arith.constant 0 : i32
      %dma_wait3A_382 = tpu.memref_slice %arg4[%run_scoped3A_7, %dma_wait3A] : memref<8x16xf32, #tpu.memory_space<vmem>> -> memref<1x16xf32, #tpu.memory_space<vmem>>
      %dma_wait3A_383 = tpu.memref_squeeze %dma_wait3A_382 : memref<1x16xf32, #tpu.memory_space<vmem>> -> memref<16xf32, #tpu.memory_space<vmem>>
      %dma_wait3A_384 = tpu.memref_slice %arg2[%run_scoped3A_6, %mul3A_2] : memref<8x512xf32, #tpu.memory_space<hbm>> -> memref<1x16xf32, #tpu.memory_space<hbm>>
      %dma_wait3A_385 = tpu.memref_squeeze %dma_wait3A_384 : memref<1x16xf32, #tpu.memory_space<hbm>> -> memref<16xf32, #tpu.memory_space<hbm>>
      %dma_wait3A_386 = arith.constant 0 : i32
      %dma_wait3A_387 = tpu.memref_slice %arg4[%run_scoped3A_7, %dma_wait3A_386] : memref<8x16xf32, #tpu.memory_space<vmem>> -> memref<1x16xf32, #tpu.memory_space<vmem>>
      %dma_wait3A_388 = tpu.memref_squeeze %dma_wait3A_387 : memref<1x16xf32, #tpu.memory_space<vmem>> -> memref<16xf32, #tpu.memory_space<vmem>>
      %dma_wait3A_389 = tpu.memref_slice %arg2[%run_scoped3A_6, %mul3A_2] : memref<8x512xf32, #tpu.memory_space<hbm>> -> memref<1x16xf32, #tpu.memory_space<hbm>>
      %dma_wait3A_390 = tpu.memref_squeeze %dma_wait3A_389 : memref<1x16xf32, #tpu.memory_space<hbm>> -> memref<16xf32, #tpu.memory_space<hbm>>
      tpu.wait_dma2 semaphore(%run_scoped3A_372 : memref<!tpu.dma_semaphore, #tpu.memory_space<semaphore_mem>>) src(%dma_wait3A_390 : memref<16xf32, #tpu.memory_space<hbm>>) dst(%dma_wait3A_388 : memref<16xf32, #tpu.memory_space<vmem>>)
      tpu.yield
    }) : () -> ()
    %run_scoped3A_8 = arith.constant 3 : i32
    %run_scoped3A_9 = arith.constant 3 : i32
    "tpu.region"() ({
      %run_scoped3A_372 = tpu.sem_alloc : memref<!tpu.dma_semaphore, #tpu.memory_space<semaphore_mem>>
      %dma_start3A = arith.constant 0 : i32
      %dma_start3A_373 = tpu.memref_slice %arg4[%run_scoped3A_9, %dma_start3A] : memref<8x16xf32, #tpu.memory_space<vmem>> -> memref<1x16xf32, #tpu.memory_space<vmem>>
      %dma_start3A_374 = tpu.memref_squeeze %dma_start3A_373 : memref<1x16xf32, #tpu.memory_space<vmem>> -> memref<16xf32, #tpu.memory_space<vmem>>
      %dma_start3A_375 = tpu.memref_slice %arg2[%run_scoped3A_8, %mul3A_2] : memref<8x512xf32, #tpu.memory_space<hbm>> -> memref<1x16xf32, #tpu.memory_space<hbm>>
      %dma_start3A_376 = tpu.memref_squeeze %dma_start3A_375 : memref<1x16xf32, #tpu.memory_space<hbm>> -> memref<16xf32, #tpu.memory_space<hbm>>
      %dma_start3A_377 = arith.constant 0 : i32
      %dma_start3A_378 = tpu.memref_slice %arg4[%run_scoped3A_9, %dma_start3A_377] : memref<8x16xf32, #tpu.memory_space<vmem>> -> memref<1x16xf32, #tpu.memory_space<vmem>>
      %dma_start3A_379 = tpu.memref_squeeze %dma_start3A_378 : memref<1x16xf32, #tpu.memory_space<vmem>> -> memref<16xf32, #tpu.memory_space<vmem>>
      %dma_start3A_380 = tpu.memref_slice %arg2[%run_scoped3A_8, %mul3A_2] : memref<8x512xf32, #tpu.memory_space<hbm>> -> memref<1x16xf32, #tpu.memory_space<hbm>>
      %dma_start3A_381 = tpu.memref_squeeze %dma_start3A_380 : memref<1x16xf32, #tpu.memory_space<hbm>> -> memref<16xf32, #tpu.memory_space<hbm>>
      tpu.enqueue_dma source(%dma_start3A_381 : memref<16xf32, #tpu.memory_space<hbm>>) target(%dma_start3A_379 : memref<16xf32, #tpu.memory_space<vmem>>) target_semaphore(%run_scoped3A_372 : memref<!tpu.dma_semaphore, #tpu.memory_space<semaphore_mem>>)
      %dma_wait3A = arith.constant 0 : i32
      %dma_wait3A_382 = tpu.memref_slice %arg4[%run_scoped3A_9, %dma_wait3A] : memref<8x16xf32, #tpu.memory_space<vmem>> -> memref<1x16xf32, #tpu.memory_space<vmem>>
      %dma_wait3A_383 = tpu.memref_squeeze %dma_wait3A_382 : memref<1x16xf32, #tpu.memory_space<vmem>> -> memref<16xf32, #tpu.memory_space<vmem>>
      %dma_wait3A_384 = tpu.memref_slice %arg2[%run_scoped3A_8, %mul3A_2] : memref<8x512xf32, #tpu.memory_space<hbm>> -> memref<1x16xf32, #tpu.memory_space<hbm>>
      %dma_wait3A_385 = tpu.memref_squeeze %dma_wait3A_384 : memref<1x16xf32, #tpu.memory_space<hbm>> -> memref<16xf32, #tpu.memory_space<hbm>>
      %dma_wait3A_386 = arith.constant 0 : i32
      %dma_wait3A_387 = tpu.memref_slice %arg4[%run_scoped3A_9, %dma_wait3A_386] : memref<8x16xf32, #tpu.memory_space<vmem>> -> memref<1x16xf32, #tpu.memory_space<vmem>>
      %dma_wait3A_388 = tpu.memref_squeeze %dma_wait3A_387 : memref<1x16xf32, #tpu.memory_space<vmem>> -> memref<16xf32, #tpu.memory_space<vmem>>
      %dma_wait3A_389 = tpu.memref_slice %arg2[%run_scoped3A_8, %mul3A_2] : memref<8x512xf32, #tpu.memory_space<hbm>> -> memref<1x16xf32, #tpu.memory_space<hbm>>
      %dma_wait3A_390 = tpu.memref_squeeze %dma_wait3A_389 : memref<1x16xf32, #tpu.memory_space<hbm>> -> memref<16xf32, #tpu.memory_space<hbm>>
      tpu.wait_dma2 semaphore(%run_scoped3A_372 : memref<!tpu.dma_semaphore, #tpu.memory_space<semaphore_mem>>) src(%dma_wait3A_390 : memref<16xf32, #tpu.memory_space<hbm>>) dst(%dma_wait3A_388 : memref<16xf32, #tpu.memory_space<vmem>>)
      tpu.yield
    }) : () -> ()
    %run_scoped3A_10 = arith.constant 4 : i32
    %run_scoped3A_11 = arith.constant 4 : i32
    "tpu.region"() ({
      %run_scoped3A_372 = tpu.sem_alloc : memref<!tpu.dma_semaphore, #tpu.memory_space<semaphore_mem>>
      %dma_start3A = arith.constant 0 : i32
      %dma_start3A_373 = tpu.memref_slice %arg4[%run_scoped3A_11, %dma_start3A] : memref<8x16xf32, #tpu.memory_space<vmem>> -> memref<1x16xf32, #tpu.memory_space<vmem>>
      %dma_start3A_374 = tpu.memref_squeeze %dma_start3A_373 : memref<1x16xf32, #tpu.memory_space<vmem>> -> memref<16xf32, #tpu.memory_space<vmem>>
      %dma_start3A_375 = tpu.memref_slice %arg2[%run_scoped3A_10, %mul3A_2] : memref<8x512xf32, #tpu.memory_space<hbm>> -> memref<1x16xf32, #tpu.memory_space<hbm>>
      %dma_start3A_376 = tpu.memref_squeeze %dma_start3A_375 : memref<1x16xf32, #tpu.memory_space<hbm>> -> memref<16xf32, #tpu.memory_space<hbm>>
      %dma_start3A_377 = arith.constant 0 : i32
      %dma_start3A_378 = tpu.memref_slice %arg4[%run_scoped3A_11, %dma_start3A_377] : memref<8x16xf32, #tpu.memory_space<vmem>> -> memref<1x16xf32, #tpu.memory_space<vmem>>
      %dma_start3A_379 = tpu.memref_squeeze %dma_start3A_378 : memref<1x16xf32, #tpu.memory_space<vmem>> -> memref<16xf32, #tpu.memory_space<vmem>>
      %dma_start3A_380 = tpu.memref_slice %arg2[%run_scoped3A_10, %mul3A_2] : memref<8x512xf32, #tpu.memory_space<hbm>> -> memref<1x16xf32, #tpu.memory_space<hbm>>
      %dma_start3A_381 = tpu.memref_squeeze %dma_start3A_380 : memref<1x16xf32, #tpu.memory_space<hbm>> -> memref<16xf32, #tpu.memory_space<hbm>>
      tpu.enqueue_dma source(%dma_start3A_381 : memref<16xf32, #tpu.memory_space<hbm>>) target(%dma_start3A_379 : memref<16xf32, #tpu.memory_space<vmem>>) target_semaphore(%run_scoped3A_372 : memref<!tpu.dma_semaphore, #tpu.memory_space<semaphore_mem>>)
      %dma_wait3A = arith.constant 0 : i32
      %dma_wait3A_382 = tpu.memref_slice %arg4[%run_scoped3A_11, %dma_wait3A] : memref<8x16xf32, #tpu.memory_space<vmem>> -> memref<1x16xf32, #tpu.memory_space<vmem>>
      %dma_wait3A_383 = tpu.memref_squeeze %dma_wait3A_382 : memref<1x16xf32, #tpu.memory_space<vmem>> -> memref<16xf32, #tpu.memory_space<vmem>>
      %dma_wait3A_384 = tpu.memref_slice %arg2[%run_scoped3A_10, %mul3A_2] : memref<8x512xf32, #tpu.memory_space<hbm>> -> memref<1x16xf32, #tpu.memory_space<hbm>>
      %dma_wait3A_385 = tpu.memref_squeeze %dma_wait3A_384 : memref<1x16xf32, #tpu.memory_space<hbm>> -> memref<16xf32, #tpu.memory_space<hbm>>
      %dma_wait3A_386 = arith.constant 0 : i32
      %dma_wait3A_387 = tpu.memref_slice %arg4[%run_scoped3A_11, %dma_wait3A_386] : memref<8x16xf32, #tpu.memory_space<vmem>> -> memref<1x16xf32, #tpu.memory_space<vmem>>
      %dma_wait3A_388 = tpu.memref_squeeze %dma_wait3A_387 : memref<1x16xf32, #tpu.memory_space<vmem>> -> memref<16xf32, #tpu.memory_space<vmem>>
      %dma_wait3A_389 = tpu.memref_slice %arg2[%run_scoped3A_10, %mul3A_2] : memref<8x512xf32, #tpu.memory_space<hbm>> -> memref<1x16xf32, #tpu.memory_space<hbm>>
      %dma_wait3A_390 = tpu.memref_squeeze %dma_wait3A_389 : memref<1x16xf32, #tpu.memory_space<hbm>> -> memref<16xf32, #tpu.memory_space<hbm>>
      tpu.wait_dma2 semaphore(%run_scoped3A_372 : memref<!tpu.dma_semaphore, #tpu.memory_space<semaphore_mem>>) src(%dma_wait3A_390 : memref<16xf32, #tpu.memory_space<hbm>>) dst(%dma_wait3A_388 : memref<16xf32, #tpu.memory_space<vmem>>)
      tpu.yield
    }) : () -> ()
    %run_scoped3A_12 = arith.constant 5 : i32
    %run_scoped3A_13 = arith.constant 5 : i32
    "tpu.region"() ({
      %run_scoped3A_372 = tpu.sem_alloc : memref<!tpu.dma_semaphore, #tpu.memory_space<semaphore_mem>>
      %dma_start3A = arith.constant 0 : i32
      %dma_start3A_373 = tpu.memref_slice %arg4[%run_scoped3A_13, %dma_start3A] : memref<8x16xf32, #tpu.memory_space<vmem>> -> memref<1x16xf32, #tpu.memory_space<vmem>>
      %dma_start3A_374 = tpu.memref_squeeze %dma_start3A_373 : memref<1x16xf32, #tpu.memory_space<vmem>> -> memref<16xf32, #tpu.memory_space<vmem>>
      %dma_start3A_375 = tpu.memref_slice %arg2[%run_scoped3A_12, %mul3A_2] : memref<8x512xf32, #tpu.memory_space<hbm>> -> memref<1x16xf32, #tpu.memory_space<hbm>>
      %dma_start3A_376 = tpu.memref_squeeze %dma_start3A_375 : memref<1x16xf32, #tpu.memory_space<hbm>> -> memref<16xf32, #tpu.memory_space<hbm>>
      %dma_start3A_377 = arith.constant 0 : i32
      %dma_start3A_378 = tpu.memref_slice %arg4[%run_scoped3A_13, %dma_start3A_377] : memref<8x16xf32, #tpu.memory_space<vmem>> -> memref<1x16xf32, #tpu.memory_space<vmem>>
      %dma_start3A_379 = tpu.memref_squeeze %dma_start3A_378 : memref<1x16xf32, #tpu.memory_space<vmem>> -> memref<16xf32, #tpu.memory_space<vmem>>
      %dma_start3A_380 = tpu.memref_slice %arg2[%run_scoped3A_12, %mul3A_2] : memref<8x512xf32, #tpu.memory_space<hbm>> -> memref<1x16xf32, #tpu.memory_space<hbm>>
      %dma_start3A_381 = tpu.memref_squeeze %dma_start3A_380 : memref<1x16xf32, #tpu.memory_space<hbm>> -> memref<16xf32, #tpu.memory_space<hbm>>
      tpu.enqueue_dma source(%dma_start3A_381 : memref<16xf32, #tpu.memory_space<hbm>>) target(%dma_start3A_379 : memref<16xf32, #tpu.memory_space<vmem>>) target_semaphore(%run_scoped3A_372 : memref<!tpu.dma_semaphore, #tpu.memory_space<semaphore_mem>>)
      %dma_wait3A = arith.constant 0 : i32
      %dma_wait3A_382 = tpu.memref_slice %arg4[%run_scoped3A_13, %dma_wait3A] : memref<8x16xf32, #tpu.memory_space<vmem>> -> memref<1x16xf32, #tpu.memory_space<vmem>>
      %dma_wait3A_383 = tpu.memref_squeeze %dma_wait3A_382 : memref<1x16xf32, #tpu.memory_space<vmem>> -> memref<16xf32, #tpu.memory_space<vmem>>
      %dma_wait3A_384 = tpu.memref_slice %arg2[%run_scoped3A_12, %mul3A_2] : memref<8x512xf32, #tpu.memory_space<hbm>> -> memref<1x16xf32, #tpu.memory_space<hbm>>
      %dma_wait3A_385 = tpu.memref_squeeze %dma_wait3A_384 : memref<1x16xf32, #tpu.memory_space<hbm>> -> memref<16xf32, #tpu.memory_space<hbm>>
      %dma_wait3A_386 = arith.constant 0 : i32
      %dma_wait3A_387 = tpu.memref_slice %arg4[%run_scoped3A_13, %dma_wait3A_386] : memref<8x16xf32, #tpu.memory_space<vmem>> -> memref<1x16xf32, #tpu.memory_space<vmem>>
      %dma_wait3A_388 = tpu.memref_squeeze %dma_wait3A_387 : memref<1x16xf32, #tpu.memory_space<vmem>> -> memref<16xf32, #tpu.memory_space<vmem>>
      %dma_wait3A_389 = tpu.memref_slice %arg2[%run_scoped3A_12, %mul3A_2] : memref<8x512xf32, #tpu.memory_space<hbm>> -> memref<1x16xf32, #tpu.memory_space<hbm>>
      %dma_wait3A_390 = tpu.memref_squeeze %dma_wait3A_389 : memref<1x16xf32, #tpu.memory_space<hbm>> -> memref<16xf32, #tpu.memory_space<hbm>>
      tpu.wait_dma2 semaphore(%run_scoped3A_372 : memref<!tpu.dma_semaphore, #tpu.memory_space<semaphore_mem>>) src(%dma_wait3A_390 : memref<16xf32, #tpu.memory_space<hbm>>) dst(%dma_wait3A_388 : memref<16xf32, #tpu.memory_space<vmem>>)
      tpu.yield
    }) : () -> ()
    %run_scoped3A_14 = arith.constant 6 : i32
    %run_scoped3A_15 = arith.constant 6 : i32
    "tpu.region"() ({
      %run_scoped3A_372 = tpu.sem_alloc : memref<!tpu.dma_semaphore, #tpu.memory_space<semaphore_mem>>
      %dma_start3A = arith.constant 0 : i32
      %dma_start3A_373 = tpu.memref_slice %arg4[%run_scoped3A_15, %dma_start3A] : memref<8x16xf32, #tpu.memory_space<vmem>> -> memref<1x16xf32, #tpu.memory_space<vmem>>
      %dma_start3A_374 = tpu.memref_squeeze %dma_start3A_373 : memref<1x16xf32, #tpu.memory_space<vmem>> -> memref<16xf32, #tpu.memory_space<vmem>>
      %dma_start3A_375 = tpu.memref_slice %arg2[%run_scoped3A_14, %mul3A_2] : memref<8x512xf32, #tpu.memory_space<hbm>> -> memref<1x16xf32, #tpu.memory_space<hbm>>
      %dma_start3A_376 = tpu.memref_squeeze %dma_start3A_375 : memref<1x16xf32, #tpu.memory_space<hbm>> -> memref<16xf32, #tpu.memory_space<hbm>>
      %dma_start3A_377 = arith.constant 0 : i32
      %dma_start3A_378 = tpu.memref_slice %arg4[%run_scoped3A_15, %dma_start3A_377] : memref<8x16xf32, #tpu.memory_space<vmem>> -> memref<1x16xf32, #tpu.memory_space<vmem>>
      %dma_start3A_379 = tpu.memref_squeeze %dma_start3A_378 : memref<1x16xf32, #tpu.memory_space<vmem>> -> memref<16xf32, #tpu.memory_space<vmem>>
      %dma_start3A_380 = tpu.memref_slice %arg2[%run_scoped3A_14, %mul3A_2] : memref<8x512xf32, #tpu.memory_space<hbm>> -> memref<1x16xf32, #tpu.memory_space<hbm>>
      %dma_start3A_381 = tpu.memref_squeeze %dma_start3A_380 : memref<1x16xf32, #tpu.memory_space<hbm>> -> memref<16xf32, #tpu.memory_space<hbm>>
      tpu.enqueue_dma source(%dma_start3A_381 : memref<16xf32, #tpu.memory_space<hbm>>) target(%dma_start3A_379 : memref<16xf32, #tpu.memory_space<vmem>>) target_semaphore(%run_scoped3A_372 : memref<!tpu.dma_semaphore, #tpu.memory_space<semaphore_mem>>)
      %dma_wait3A = arith.constant 0 : i32
      %dma_wait3A_382 = tpu.memref_slice %arg4[%run_scoped3A_15, %dma_wait3A] : memref<8x16xf32, #tpu.memory_space<vmem>> -> memref<1x16xf32, #tpu.memory_space<vmem>>
      %dma_wait3A_383 = tpu.memref_squeeze %dma_wait3A_382 : memref<1x16xf32, #tpu.memory_space<vmem>> -> memref<16xf32, #tpu.memory_space<vmem>>
      %dma_wait3A_384 = tpu.memref_slice %arg2[%run_scoped3A_14, %mul3A_2] : memref<8x512xf32, #tpu.memory_space<hbm>> -> memref<1x16xf32, #tpu.memory_space<hbm>>
      %dma_wait3A_385 = tpu.memref_squeeze %dma_wait3A_384 : memref<1x16xf32, #tpu.memory_space<hbm>> -> memref<16xf32, #tpu.memory_space<hbm>>
      %dma_wait3A_386 = arith.constant 0 : i32
      %dma_wait3A_387 = tpu.memref_slice %arg4[%run_scoped3A_15, %dma_wait3A_386] : memref<8x16xf32, #tpu.memory_space<vmem>> -> memref<1x16xf32, #tpu.memory_space<vmem>>
      %dma_wait3A_388 = tpu.memref_squeeze %dma_wait3A_387 : memref<1x16xf32, #tpu.memory_space<vmem>> -> memref<16xf32, #tpu.memory_space<vmem>>
      %dma_wait3A_389 = tpu.memref_slice %arg2[%run_scoped3A_14, %mul3A_2] : memref<8x512xf32, #tpu.memory_space<hbm>> -> memref<1x16xf32, #tpu.memory_space<hbm>>
      %dma_wait3A_390 = tpu.memref_squeeze %dma_wait3A_389 : memref<1x16xf32, #tpu.memory_space<hbm>> -> memref<16xf32, #tpu.memory_space<hbm>>
      tpu.wait_dma2 semaphore(%run_scoped3A_372 : memref<!tpu.dma_semaphore, #tpu.memory_space<semaphore_mem>>) src(%dma_wait3A_390 : memref<16xf32, #tpu.memory_space<hbm>>) dst(%dma_wait3A_388 : memref<16xf32, #tpu.memory_space<vmem>>)
      tpu.yield
    }) : () -> ()
    %run_scoped3A_16 = arith.constant 7 : i32
    %run_scoped3A_17 = arith.constant 7 : i32
    "tpu.region"() ({
      %run_scoped3A_372 = tpu.sem_alloc : memref<!tpu.dma_semaphore, #tpu.memory_space<semaphore_mem>>
      %dma_start3A = arith.constant 0 : i32
      %dma_start3A_373 = tpu.memref_slice %arg4[%run_scoped3A_17, %dma_start3A] : memref<8x16xf32, #tpu.memory_space<vmem>> -> memref<1x16xf32, #tpu.memory_space<vmem>>
      %dma_start3A_374 = tpu.memref_squeeze %dma_start3A_373 : memref<1x16xf32, #tpu.memory_space<vmem>> -> memref<16xf32, #tpu.memory_space<vmem>>
      %dma_start3A_375 = tpu.memref_slice %arg2[%run_scoped3A_16, %mul3A_2] : memref<8x512xf32, #tpu.memory_space<hbm>> -> memref<1x16xf32, #tpu.memory_space<hbm>>
      %dma_start3A_376 = tpu.memref_squeeze %dma_start3A_375 : memref<1x16xf32, #tpu.memory_space<hbm>> -> memref<16xf32, #tpu.memory_space<hbm>>
      %dma_start3A_377 = arith.constant 0 : i32
      %dma_start3A_378 = tpu.memref_slice %arg4[%run_scoped3A_17, %dma_start3A_377] : memref<8x16xf32, #tpu.memory_space<vmem>> -> memref<1x16xf32, #tpu.memory_space<vmem>>
      %dma_start3A_379 = tpu.memref_squeeze %dma_start3A_378 : memref<1x16xf32, #tpu.memory_space<vmem>> -> memref<16xf32, #tpu.memory_space<vmem>>
      %dma_start3A_380 = tpu.memref_slice %arg2[%run_scoped3A_16, %mul3A_2] : memref<8x512xf32, #tpu.memory_space<hbm>> -> memref<1x16xf32, #tpu.memory_space<hbm>>
      %dma_start3A_381 = tpu.memref_squeeze %dma_start3A_380 : memref<1x16xf32, #tpu.memory_space<hbm>> -> memref<16xf32, #tpu.memory_space<hbm>>
      tpu.enqueue_dma source(%dma_start3A_381 : memref<16xf32, #tpu.memory_space<hbm>>) target(%dma_start3A_379 : memref<16xf32, #tpu.memory_space<vmem>>) target_semaphore(%run_scoped3A_372 : memref<!tpu.dma_semaphore, #tpu.memory_space<semaphore_mem>>)
      %dma_wait3A = arith.constant 0 : i32
      %dma_wait3A_382 = tpu.memref_slice %arg4[%run_scoped3A_17, %dma_wait3A] : memref<8x16xf32, #tpu.memory_space<vmem>> -> memref<1x16xf32, #tpu.memory_space<vmem>>
      %dma_wait3A_383 = tpu.memref_squeeze %dma_wait3A_382 : memref<1x16xf32, #tpu.memory_space<vmem>> -> memref<16xf32, #tpu.memory_space<vmem>>
      %dma_wait3A_384 = tpu.memref_slice %arg2[%run_scoped3A_16, %mul3A_2] : memref<8x512xf32, #tpu.memory_space<hbm>> -> memref<1x16xf32, #tpu.memory_space<hbm>>
      %dma_wait3A_385 = tpu.memref_squeeze %dma_wait3A_384 : memref<1x16xf32, #tpu.memory_space<hbm>> -> memref<16xf32, #tpu.memory_space<hbm>>
      %dma_wait3A_386 = arith.constant 0 : i32
      %dma_wait3A_387 = tpu.memref_slice %arg4[%run_scoped3A_17, %dma_wait3A_386] : memref<8x16xf32, #tpu.memory_space<vmem>> -> memref<1x16xf32, #tpu.memory_space<vmem>>
      %dma_wait3A_388 = tpu.memref_squeeze %dma_wait3A_387 : memref<1x16xf32, #tpu.memory_space<vmem>> -> memref<16xf32, #tpu.memory_space<vmem>>
      %dma_wait3A_389 = tpu.memref_slice %arg2[%run_scoped3A_16, %mul3A_2] : memref<8x512xf32, #tpu.memory_space<hbm>> -> memref<1x16xf32, #tpu.memory_space<hbm>>
      %dma_wait3A_390 = tpu.memref_squeeze %dma_wait3A_389 : memref<1x16xf32, #tpu.memory_space<hbm>> -> memref<16xf32, #tpu.memory_space<hbm>>
      tpu.wait_dma2 semaphore(%run_scoped3A_372 : memref<!tpu.dma_semaphore, #tpu.memory_space<semaphore_mem>>) src(%dma_wait3A_390 : memref<16xf32, #tpu.memory_space<hbm>>) dst(%dma_wait3A_388 : memref<16xf32, #tpu.memory_space<vmem>>)
      tpu.yield
    }) : () -> ()
    %get3A = arith.constant 0 : i32
    %get3A_18 = arith.index_cast %get3A : i32 to index
    %get3A_19 = arith.constant 0 : index
    %get3A_20 = tpu.vector_load %arg4[%get3A_18, %get3A_19] {strides = array<i32>} : memref<8x16xf32, #tpu.memory_space<vmem>>, vector<1x16xf32>,
    %get3A_21 = vector.shape_cast %get3A_20 : vector<1x16xf32> to vector<16xf32>
    %get3A_22 = arith.constant 1 : i32
    %get3A_23 = arith.index_cast %get3A_22 : i32 to index
    %get3A_24 = arith.constant 0 : index
    %get3A_25 = tpu.vector_load %arg4[%get3A_23, %get3A_24] {strides = array<i32>} : memref<8x16xf32, #tpu.memory_space<vmem>>, vector<1x16xf32>,
    %get3A_26 = vector.shape_cast %get3A_25 : vector<1x16xf32> to vector<16xf32>
    %get3A_27 = arith.constant 2 : i32
    %get3A_28 = arith.index_cast %get3A_27 : i32 to index
    %get3A_29 = arith.constant 0 : index
    %get3A_30 = tpu.vector_load %arg4[%get3A_28, %get3A_29] {strides = array<i32>} : memref<8x16xf32, #tpu.memory_space<vmem>>, vector<1x16xf32>,
    %get3A_31 = vector.shape_cast %get3A_30 : vector<1x16xf32> to vector<16xf32>
    %get3A_32 = arith.constant 3 : i32
    %get3A_33 = arith.index_cast %get3A_32 : i32 to index
    %get3A_34 = arith.constant 0 : index
    %get3A_35 = tpu.vector_load %arg4[%get3A_33, %get3A_34] {strides = array<i32>} : memref<8x16xf32, #tpu.memory_space<vmem>>, vector<1x16xf32>,
    %get3A_36 = vector.shape_cast %get3A_35 : vector<1x16xf32> to vector<16xf32>
    %get3A_37 = arith.constant 4 : i32
    %get3A_38 = arith.index_cast %get3A_37 : i32 to index
    %get3A_39 = arith.constant 0 : index
    %get3A_40 = tpu.vector_load %arg4[%get3A_38, %get3A_39] {strides = array<i32>} : memref<8x16xf32, #tpu.memory_space<vmem>>, vector<1x16xf32>,
    %get3A_41 = vector.shape_cast %get3A_40 : vector<1x16xf32> to vector<16xf32>
    %get3A_42 = arith.constant 5 : i32
    %get3A_43 = arith.index_cast %get3A_42 : i32 to index
    %get3A_44 = arith.constant 0 : index
    %get3A_45 = tpu.vector_load %arg4[%get3A_43, %get3A_44] {strides = array<i32>} : memref<8x16xf32, #tpu.memory_space<vmem>>, vector<1x16xf32>,
    %get3A_46 = vector.shape_cast %get3A_45 : vector<1x16xf32> to vector<16xf32>
    %get3A_47 = arith.constant 6 : i32
    %get3A_48 = arith.index_cast %get3A_47 : i32 to index
    %get3A_49 = arith.constant 0 : index
    %get3A_50 = tpu.vector_load %arg4[%get3A_48, %get3A_49] {strides = array<i32>} : memref<8x16xf32, #tpu.memory_space<vmem>>, vector<1x16xf32>,
    %get3A_51 = vector.shape_cast %get3A_50 : vector<1x16xf32> to vector<16xf32>
    %get3A_52 = arith.constant 7 : i32
    %get3A_53 = arith.index_cast %get3A_52 : i32 to index
    %get3A_54 = arith.constant 0 : index
    %get3A_55 = tpu.vector_load %arg4[%get3A_53, %get3A_54] {strides = array<i32>} : memref<8x16xf32, #tpu.memory_space<vmem>>, vector<1x16xf32>,
    %get3A_56 = vector.shape_cast %get3A_55 : vector<1x16xf32> to vector<16xf32>
    %max3A = arith.maximumf %get3A_21, %get3A_26 : vector<16xf32>
    %max3A_57 = arith.maximumf %max3A, %get3A_31 : vector<16xf32>
    %max3A_58 = arith.maximumf %max3A_57, %get3A_36 : vector<16xf32>
    %max3A_59 = arith.maximumf %max3A_58, %get3A_41 : vector<16xf32>
    %max3A_60 = arith.maximumf %max3A_59, %get3A_46 : vector<16xf32>
    %max3A_61 = arith.maximumf %max3A_60, %get3A_51 : vector<16xf32>
    %max3A_62 = arith.maximumf %max3A_61, %get3A_56 : vector<16xf32>
    %sub3A = arith.subf %get3A_21, %max3A_62 : vector<16xf32>
    %exp3A = math.exp %sub3A : vector<16xf32>
    %sub3A_63 = arith.subf %get3A_26, %max3A_62 : vector<16xf32>
    %exp3A_64 = math.exp %sub3A_63 : vector<16xf32>
    %sub3A_65 = arith.subf %get3A_31, %max3A_62 : vector<16xf32>
    %exp3A_66 = math.exp %sub3A_65 : vector<16xf32>
    %sub3A_67 = arith.subf %get3A_36, %max3A_62 : vector<16xf32>
    %exp3A_68 = math.exp %sub3A_67 : vector<16xf32>
    %sub3A_69 = arith.subf %get3A_41, %max3A_62 : vector<16xf32>
    %exp3A_70 = math.exp %sub3A_69 : vector<16xf32>
    %sub3A_71 = arith.subf %get3A_46, %max3A_62 : vector<16xf32>
    %exp3A_72 = math.exp %sub3A_71 : vector<16xf32>
    %sub3A_73 = arith.subf %get3A_51, %max3A_62 : vector<16xf32>
    %exp3A_74 = math.exp %sub3A_73 : vector<16xf32>
    %sub3A_75 = arith.subf %get3A_56, %max3A_62 : vector<16xf32>
    %exp3A_76 = math.exp %sub3A_75 : vector<16xf32>
    %max3A_77 = arith.maximumf %exp3A, %exp3A_64 : vector<16xf32>
    %max3A_78 = arith.maximumf %max3A_77, %exp3A_66 : vector<16xf32>
    %max3A_79 = arith.maximumf %max3A_78, %exp3A_68 : vector<16xf32>
    %max3A_80 = arith.maximumf %max3A_79, %exp3A_70 : vector<16xf32>
    %max3A_81 = arith.maximumf %max3A_80, %exp3A_72 : vector<16xf32>
    %max3A_82 = arith.maximumf %max3A_81, %exp3A_74 : vector<16xf32>
    %max3A_83 = arith.maximumf %max3A_82, %exp3A_76 : vector<16xf32>
    %broadcast_in_dim3A = arith.constant 7 : i32
    %broadcast_in_dim3A_84 = vector.broadcast %broadcast_in_dim3A : i32 to vector<16xi32>
    %eq3A = arith.cmpf oeq, %exp3A_76, %max3A_83 : vector<16xf32>
    %jit3A = arith.constant 7 : i32
    %broadcast_in_dim3A_85 = vector.broadcast %jit3A : i32 to vector<16xi32>
    %select_n3A = arith.select %eq3A, %broadcast_in_dim3A_85, %broadcast_in_dim3A_84 : vector<16xi1>, vector<16xi32>
    %eq3A_86 = arith.cmpf oeq, %exp3A_74, %max3A_83 : vector<16xf32>
    %jit3A_87 = arith.constant 6 : i32
    %broadcast_in_dim3A_88 = vector.broadcast %jit3A_87 : i32 to vector<16xi32>
    %select_n3A_89 = arith.select %eq3A_86, %broadcast_in_dim3A_88, %select_n3A : vector<16xi1>, vector<16xi32>
    %eq3A_90 = arith.cmpf oeq, %exp3A_72, %max3A_83 : vector<16xf32>
    %jit3A_91 = arith.constant 5 : i32
    %broadcast_in_dim3A_92 = vector.broadcast %jit3A_91 : i32 to vector<16xi32>
    %select_n3A_93 = arith.select %eq3A_90, %broadcast_in_dim3A_92, %select_n3A_89 : vector<16xi1>, vector<16xi32>
    %eq3A_94 = arith.cmpf oeq, %exp3A_70, %max3A_83 : vector<16xf32>
    %jit3A_95 = arith.constant 4 : i32
    %broadcast_in_dim3A_96 = vector.broadcast %jit3A_95 : i32 to vector<16xi32>
    %select_n3A_97 = arith.select %eq3A_94, %broadcast_in_dim3A_96, %select_n3A_93 : vector<16xi1>, vector<16xi32>
    %eq3A_98 = arith.cmpf oeq, %exp3A_68, %max3A_83 : vector<16xf32>
    %jit3A_99 = arith.constant 3 : i32
    %broadcast_in_dim3A_100 = vector.broadcast %jit3A_99 : i32 to vector<16xi32>
    %select_n3A_101 = arith.select %eq3A_98, %broadcast_in_dim3A_100, %select_n3A_97 : vector<16xi1>, vector<16xi32>
    %eq3A_102 = arith.cmpf oeq, %exp3A_66, %max3A_83 : vector<16xf32>
    %jit3A_103 = arith.constant 2 : i32
    %broadcast_in_dim3A_104 = vector.broadcast %jit3A_103 : i32 to vector<16xi32>
    %select_n3A_105 = arith.select %eq3A_102, %broadcast_in_dim3A_104, %select_n3A_101 : vector<16xi1>, vector<16xi32>
    %eq3A_106 = arith.cmpf oeq, %exp3A_64, %max3A_83 : vector<16xf32>
    %jit3A_107 = arith.constant 1 : i32
    %broadcast_in_dim3A_108 = vector.broadcast %jit3A_107 : i32 to vector<16xi32>
    %select_n3A_109 = arith.select %eq3A_106, %broadcast_in_dim3A_108, %select_n3A_105 : vector<16xi1>, vector<16xi32>
    %eq3A_110 = arith.cmpf oeq, %exp3A, %max3A_83 : vector<16xf32>
    %jit3A_111 = arith.constant 0 : i32
    %broadcast_in_dim3A_112 = vector.broadcast %jit3A_111 : i32 to vector<16xi32>
    %select_n3A_113 = arith.select %eq3A_110, %broadcast_in_dim3A_112, %select_n3A_109 : vector<16xi1>, vector<16xi32>
    %eq3A_114 = arith.constant 0 : i32
    %eq3A_115 = vector.broadcast %eq3A_114 : i32 to vector<16xi32>
    %eq3A_116 = arith.cmpi eq, %select_n3A_113, %eq3A_115 : vector<16xi32>
    %jit3A_117 = arith.constant -1.000000e+00 : f32
    %broadcast_in_dim3A_118 = vector.broadcast %jit3A_117 : f32 to vector<16xf32>
    %select_n3A_119 = arith.select %eq3A_116, %broadcast_in_dim3A_118, %exp3A : vector<16xi1>, vector<16xf32>
    %eq3A_120 = arith.constant 1 : i32
    %eq3A_121 = vector.broadcast %eq3A_120 : i32 to vector<16xi32>
    %eq3A_122 = arith.cmpi eq, %select_n3A_113, %eq3A_121 : vector<16xi32>
    %jit3A_123 = arith.constant -1.000000e+00 : f32
    %broadcast_in_dim3A_124 = vector.broadcast %jit3A_123 : f32 to vector<16xf32>
    %select_n3A_125 = arith.select %eq3A_122, %broadcast_in_dim3A_124, %exp3A_64 : vector<16xi1>, vector<16xf32>
    %eq3A_126 = arith.constant 2 : i32
    %eq3A_127 = vector.broadcast %eq3A_126 : i32 to vector<16xi32>
    %eq3A_128 = arith.cmpi eq, %select_n3A_113, %eq3A_127 : vector<16xi32>
    %jit3A_129 = arith.constant -1.000000e+00 : f32
    %broadcast_in_dim3A_130 = vector.broadcast %jit3A_129 : f32 to vector<16xf32>
    %select_n3A_131 = arith.select %eq3A_128, %broadcast_in_dim3A_130, %exp3A_66 : vector<16xi1>, vector<16xf32>
    %eq3A_132 = arith.constant 3 : i32
    %eq3A_133 = vector.broadcast %eq3A_132 : i32 to vector<16xi32>
    %eq3A_134 = arith.cmpi eq, %select_n3A_113, %eq3A_133 : vector<16xi32>
    %jit3A_135 = arith.constant -1.000000e+00 : f32
    %broadcast_in_dim3A_136 = vector.broadcast %jit3A_135 : f32 to vector<16xf32>
    %select_n3A_137 = arith.select %eq3A_134, %broadcast_in_dim3A_136, %exp3A_68 : vector<16xi1>, vector<16xf32>
    %eq3A_138 = arith.constant 4 : i32
    %eq3A_139 = vector.broadcast %eq3A_138 : i32 to vector<16xi32>
    %eq3A_140 = arith.cmpi eq, %select_n3A_113, %eq3A_139 : vector<16xi32>
    %jit3A_141 = arith.constant -1.000000e+00 : f32
    %broadcast_in_dim3A_142 = vector.broadcast %jit3A_141 : f32 to vector<16xf32>
    %select_n3A_143 = arith.select %eq3A_140, %broadcast_in_dim3A_142, %exp3A_70 : vector<16xi1>, vector<16xf32>
    %eq3A_144 = arith.constant 5 : i32
    %eq3A_145 = vector.broadcast %eq3A_144 : i32 to vector<16xi32>
    %eq3A_146 = arith.cmpi eq, %select_n3A_113, %eq3A_145 : vector<16xi32>
    %jit3A_147 = arith.constant -1.000000e+00 : f32
    %broadcast_in_dim3A_148 = vector.broadcast %jit3A_147 : f32 to vector<16xf32>
    %select_n3A_149 = arith.select %eq3A_146, %broadcast_in_dim3A_148, %exp3A_72 : vector<16xi1>, vector<16xf32>
    %eq3A_150 = arith.constant 6 : i32
    %eq3A_151 = vector.broadcast %eq3A_150 : i32 to vector<16xi32>
    %eq3A_152 = arith.cmpi eq, %select_n3A_113, %eq3A_151 : vector<16xi32>
    %jit3A_153 = arith.constant -1.000000e+00 : f32
    %broadcast_in_dim3A_154 = vector.broadcast %jit3A_153 : f32 to vector<16xf32>
    %select_n3A_155 = arith.select %eq3A_152, %broadcast_in_dim3A_154, %exp3A_74 : vector<16xi1>, vector<16xf32>
    %eq3A_156 = arith.constant 7 : i32
    %eq3A_157 = vector.broadcast %eq3A_156 : i32 to vector<16xi32>
    %eq3A_158 = arith.cmpi eq, %select_n3A_113, %eq3A_157 : vector<16xi32>
    %jit3A_159 = arith.constant -1.000000e+00 : f32
    %broadcast_in_dim3A_160 = vector.broadcast %jit3A_159 : f32 to vector<16xf32>
    %select_n3A_161 = arith.select %eq3A_158, %broadcast_in_dim3A_160, %exp3A_76 : vector<16xi1>, vector<16xf32>
    %max3A_162 = arith.maximumf %select_n3A_119, %select_n3A_125 : vector<16xf32>
    %max3A_163 = arith.maximumf %max3A_162, %select_n3A_131 : vector<16xf32>
    %max3A_164 = arith.maximumf %max3A_163, %select_n3A_137 : vector<16xf32>
    %max3A_165 = arith.maximumf %max3A_164, %select_n3A_143 : vector<16xf32>
    %max3A_166 = arith.maximumf %max3A_165, %select_n3A_149 : vector<16xf32>
    %max3A_167 = arith.maximumf %max3A_166, %select_n3A_155 : vector<16xf32>
    %max3A_168 = arith.maximumf %max3A_167, %select_n3A_161 : vector<16xf32>
    %broadcast_in_dim3A_169 = arith.constant 7 : i32
    %broadcast_in_dim3A_170 = vector.broadcast %broadcast_in_dim3A_169 : i32 to vector<16xi32>
    %eq3A_171 = arith.cmpf oeq, %select_n3A_161, %max3A_168 : vector<16xf32>
    %jit3A_172 = arith.constant 7 : i32
    %broadcast_in_dim3A_173 = vector.broadcast %jit3A_172 : i32 to vector<16xi32>
    %select_n3A_174 = arith.select %eq3A_171, %broadcast_in_dim3A_173, %broadcast_in_dim3A_170 : vector<16xi1>, vector<16xi32>
    %eq3A_175 = arith.cmpf oeq, %select_n3A_155, %max3A_168 : vector<16xf32>
    %jit3A_176 = arith.constant 6 : i32
    %broadcast_in_dim3A_177 = vector.broadcast %jit3A_176 : i32 to vector<16xi32>
    %select_n3A_178 = arith.select %eq3A_175, %broadcast_in_dim3A_177, %select_n3A_174 : vector<16xi1>, vector<16xi32>
    %eq3A_179 = arith.cmpf oeq, %select_n3A_149, %max3A_168 : vector<16xf32>
    %jit3A_180 = arith.constant 5 : i32
    %broadcast_in_dim3A_181 = vector.broadcast %jit3A_180 : i32 to vector<16xi32>
    %select_n3A_182 = arith.select %eq3A_179, %broadcast_in_dim3A_181, %select_n3A_178 : vector<16xi1>, vector<16xi32>
    %eq3A_183 = arith.cmpf oeq, %select_n3A_143, %max3A_168 : vector<16xf32>
    %jit3A_184 = arith.constant 4 : i32
    %broadcast_in_dim3A_185 = vector.broadcast %jit3A_184 : i32 to vector<16xi32>
    %select_n3A_186 = arith.select %eq3A_183, %broadcast_in_dim3A_185, %select_n3A_182 : vector<16xi1>, vector<16xi32>
    %eq3A_187 = arith.cmpf oeq, %select_n3A_137, %max3A_168 : vector<16xf32>
    %jit3A_188 = arith.constant 3 : i32
    %broadcast_in_dim3A_189 = vector.broadcast %jit3A_188 : i32 to vector<16xi32>
    %select_n3A_190 = arith.select %eq3A_187, %broadcast_in_dim3A_189, %select_n3A_186 : vector<16xi1>, vector<16xi32>
    %eq3A_191 = arith.cmpf oeq, %select_n3A_131, %max3A_168 : vector<16xf32>
    %jit3A_192 = arith.constant 2 : i32
    %broadcast_in_dim3A_193 = vector.broadcast %jit3A_192 : i32 to vector<16xi32>
    %select_n3A_194 = arith.select %eq3A_191, %broadcast_in_dim3A_193, %select_n3A_190 : vector<16xi1>, vector<16xi32>
    %eq3A_195 = arith.cmpf oeq, %select_n3A_125, %max3A_168 : vector<16xf32>
    %jit3A_196 = arith.constant 1 : i32
    %broadcast_in_dim3A_197 = vector.broadcast %jit3A_196 : i32 to vector<16xi32>
    %select_n3A_198 = arith.select %eq3A_195, %broadcast_in_dim3A_197, %select_n3A_194 : vector<16xi1>, vector<16xi32>
    %eq3A_199 = arith.cmpf oeq, %select_n3A_119, %max3A_168 : vector<16xf32>
    %jit3A_200 = arith.constant 0 : i32
    %broadcast_in_dim3A_201 = vector.broadcast %jit3A_200 : i32 to vector<16xi32>
    %select_n3A_202 = arith.select %eq3A_199, %broadcast_in_dim3A_201, %select_n3A_198 : vector<16xi1>, vector<16xi32>
    %add3A_203 = arith.addf %max3A_83, %max3A_168 : vector<16xf32>
    %div3A = arith.divf %max3A_83, %add3A_203 : vector<16xf32>
    %div3A_204 = arith.divf %max3A_168, %add3A_203 : vector<16xf32>
    %eq3A_205 = arith.constant 0 : i32
    %eq3A_206 = vector.broadcast %eq3A_205 : i32 to vector<16xi32>
    %eq3A_207 = arith.cmpi eq, %select_n3A_113, %eq3A_206 : vector<16xi32>
    %jit3A_208 = arith.constant 0.000000e+00 : f32
    %broadcast_in_dim3A_209 = vector.broadcast %jit3A_208 : f32 to vector<16xf32>
    %select_n3A_210 = arith.select %eq3A_207, %div3A, %broadcast_in_dim3A_209 : vector<16xi1>, vector<16xf32>
    %eq3A_211 = arith.constant 0 : i32
    %eq3A_212 = vector.broadcast %eq3A_211 : i32 to vector<16xi32>
    %eq3A_213 = arith.cmpi eq, %select_n3A_202, %eq3A_212 : vector<16xi32>
    %jit3A_214 = arith.constant 0.000000e+00 : f32
    %broadcast_in_dim3A_215 = vector.broadcast %jit3A_214 : f32 to vector<16xf32>
    %select_n3A_216 = arith.select %eq3A_213, %div3A_204, %broadcast_in_dim3A_215 : vector<16xi1>, vector<16xf32>
    %add3A_217 = arith.addf %select_n3A_210, %select_n3A_216 : vector<16xf32>
    %swap3A = arith.constant 0 : i32
    %swap3A_218 = arith.index_cast %swap3A : i32 to index
    %swap3A_219 = arith.constant 0 : index
    %swap3A_220 = tpu.vector_load %arg5[%swap3A_218, %swap3A_219] {strides = array<i32>} : memref<8x16xf32, #tpu.memory_space<vmem>>, vector<1x16xf32>,
    %swap3A_221 = vector.shape_cast %swap3A_220 : vector<1x16xf32> to vector<16xf32>
    %swap3A_222 = vector.shape_cast %add3A_217 : vector<16xf32> to vector<1x16xf32>
    tpu.vector_store %arg5[%swap3A_218, %swap3A_219], %swap3A_222 {strides = array<i32>} : memref<8x16xf32, #tpu.memory_space<vmem>>, vector<1x16xf32>,
    %run_scoped3A_223 = arith.constant 0 : i32
    %run_scoped3A_224 = arith.constant 0 : i32
    "tpu.region"() ({
      %run_scoped3A_372 = tpu.sem_alloc : memref<!tpu.dma_semaphore, #tpu.memory_space<semaphore_mem>>
      %dma_start3A = arith.constant 0 : i32
      %dma_start3A_373 = tpu.memref_slice %arg5[%run_scoped3A_223, %dma_start3A] : memref<8x16xf32, #tpu.memory_space<vmem>> -> memref<1x16xf32, #tpu.memory_space<vmem>>
      %dma_start3A_374 = tpu.memref_squeeze %dma_start3A_373 : memref<1x16xf32, #tpu.memory_space<vmem>> -> memref<16xf32, #tpu.memory_space<vmem>>
      %dma_start3A_375 = tpu.memref_slice %arg3[%run_scoped3A_224, %mul3A_2] : memref<8x512xf32, #tpu.memory_space<hbm>> -> memref<1x16xf32, #tpu.memory_space<hbm>>
      %dma_start3A_376 = tpu.memref_squeeze %dma_start3A_375 : memref<1x16xf32, #tpu.memory_space<hbm>> -> memref<16xf32, #tpu.memory_space<hbm>>
      %dma_start3A_377 = tpu.memref_slice %arg3[%run_scoped3A_224, %mul3A_2] : memref<8x512xf32, #tpu.memory_space<hbm>> -> memref<1x16xf32, #tpu.memory_space<hbm>>
      %dma_start3A_378 = tpu.memref_squeeze %dma_start3A_377 : memref<1x16xf32, #tpu.memory_space<hbm>> -> memref<16xf32, #tpu.memory_space<hbm>>
      %dma_start3A_379 = arith.constant 0 : i32
      %dma_start3A_380 = tpu.memref_slice %arg5[%run_scoped3A_223, %dma_start3A_379] : memref<8x16xf32, #tpu.memory_space<vmem>> -> memref<1x16xf32, #tpu.memory_space<vmem>>
      %dma_start3A_381 = tpu.memref_squeeze %dma_start3A_380 : memref<1x16xf32, #tpu.memory_space<vmem>> -> memref<16xf32, #tpu.memory_space<vmem>>
      tpu.enqueue_dma source(%dma_start3A_381 : memref<16xf32, #tpu.memory_space<vmem>>) target(%dma_start3A_378 : memref<16xf32, #tpu.memory_space<hbm>>) target_semaphore(%run_scoped3A_372 : memref<!tpu.dma_semaphore, #tpu.memory_space<semaphore_mem>>)
      %dma_wait3A = arith.constant 0 : i32
      %dma_wait3A_382 = tpu.memref_slice %arg5[%run_scoped3A_223, %dma_wait3A] : memref<8x16xf32, #tpu.memory_space<vmem>> -> memref<1x16xf32, #tpu.memory_space<vmem>>
      %dma_wait3A_383 = tpu.memref_squeeze %dma_wait3A_382 : memref<1x16xf32, #tpu.memory_space<vmem>> -> memref<16xf32, #tpu.memory_space<vmem>>
      %dma_wait3A_384 = tpu.memref_slice %arg3[%run_scoped3A_224, %mul3A_2] : memref<8x512xf32, #tpu.memory_space<hbm>> -> memref<1x16xf32, #tpu.memory_space<hbm>>
      %dma_wait3A_385 = tpu.memref_squeeze %dma_wait3A_384 : memref<1x16xf32, #tpu.memory_space<hbm>> -> memref<16xf32, #tpu.memory_space<hbm>>
      %dma_wait3A_386 = tpu.memref_slice %arg3[%run_scoped3A_224, %mul3A_2] : memref<8x512xf32, #tpu.memory_space<hbm>> -> memref<1x16xf32, #tpu.memory_space<hbm>>
      %dma_wait3A_387 = tpu.memref_squeeze %dma_wait3A_386 : memref<1x16xf32, #tpu.memory_space<hbm>> -> memref<16xf32, #tpu.memory_space<hbm>>
      %dma_wait3A_388 = arith.constant 0 : i32
      %dma_wait3A_389 = tpu.memref_slice %arg5[%run_scoped3A_223, %dma_wait3A_388] : memref<8x16xf32, #tpu.memory_space<vmem>> -> memref<1x16xf32, #tpu.memory_space<vmem>>
      %dma_wait3A_390 = tpu.memref_squeeze %dma_wait3A_389 : memref<1x16xf32, #tpu.memory_space<vmem>> -> memref<16xf32, #tpu.memory_space<vmem>>
      tpu.wait_dma2 semaphore(%run_scoped3A_372 : memref<!tpu.dma_semaphore, #tpu.memory_space<semaphore_mem>>) src(%dma_wait3A_390 : memref<16xf32, #tpu.memory_space<vmem>>) dst(%dma_wait3A_387 : memref<16xf32, #tpu.memory_space<hbm>>)
      tpu.yield
    }) : () -> ()
    %eq3A_225 = arith.constant 1 : i32
    %eq3A_226 = vector.broadcast %eq3A_225 : i32 to vector<16xi32>
    %eq3A_227 = arith.cmpi eq, %select_n3A_113, %eq3A_226 : vector<16xi32>
    %jit3A_228 = arith.constant 0.000000e+00 : f32
    %broadcast_in_dim3A_229 = vector.broadcast %jit3A_228 : f32 to vector<16xf32>
    %select_n3A_230 = arith.select %eq3A_227, %div3A, %broadcast_in_dim3A_229 : vector<16xi1>, vector<16xf32>
    %eq3A_231 = arith.constant 1 : i32
    %eq3A_232 = vector.broadcast %eq3A_231 : i32 to vector<16xi32>
    %eq3A_233 = arith.cmpi eq, %select_n3A_202, %eq3A_232 : vector<16xi32>
    %jit3A_234 = arith.constant 0.000000e+00 : f32
    %broadcast_in_dim3A_235 = vector.broadcast %jit3A_234 : f32 to vector<16xf32>
    %select_n3A_236 = arith.select %eq3A_233, %div3A_204, %broadcast_in_dim3A_235 : vector<16xi1>, vector<16xf32>
    %add3A_237 = arith.addf %select_n3A_230, %select_n3A_236 : vector<16xf32>
    %swap3A_238 = arith.constant 1 : i32
    %swap3A_239 = arith.index_cast %swap3A_238 : i32 to index
    %swap3A_240 = arith.constant 0 : index
    %swap3A_241 = tpu.vector_load %arg5[%swap3A_239, %swap3A_240] {strides = array<i32>} : memref<8x16xf32, #tpu.memory_space<vmem>>, vector<1x16xf32>,
    %swap3A_242 = vector.shape_cast %swap3A_241 : vector<1x16xf32> to vector<16xf32>
    %swap3A_243 = vector.shape_cast %add3A_237 : vector<16xf32> to vector<1x16xf32>
    tpu.vector_store %arg5[%swap3A_239, %swap3A_240], %swap3A_243 {strides = array<i32>} : memref<8x16xf32, #tpu.memory_space<vmem>>, vector<1x16xf32>,
    %run_scoped3A_244 = arith.constant 1 : i32
    %run_scoped3A_245 = arith.constant 1 : i32
    "tpu.region"() ({
      %run_scoped3A_372 = tpu.sem_alloc : memref<!tpu.dma_semaphore, #tpu.memory_space<semaphore_mem>>
      %dma_start3A = arith.constant 0 : i32
      %dma_start3A_373 = tpu.memref_slice %arg5[%run_scoped3A_244, %dma_start3A] : memref<8x16xf32, #tpu.memory_space<vmem>> -> memref<1x16xf32, #tpu.memory_space<vmem>>
      %dma_start3A_374 = tpu.memref_squeeze %dma_start3A_373 : memref<1x16xf32, #tpu.memory_space<vmem>> -> memref<16xf32, #tpu.memory_space<vmem>>
      %dma_start3A_375 = tpu.memref_slice %arg3[%run_scoped3A_245, %mul3A_2] : memref<8x512xf32, #tpu.memory_space<hbm>> -> memref<1x16xf32, #tpu.memory_space<hbm>>
      %dma_start3A_376 = tpu.memref_squeeze %dma_start3A_375 : memref<1x16xf32, #tpu.memory_space<hbm>> -> memref<16xf32, #tpu.memory_space<hbm>>
      %dma_start3A_377 = tpu.memref_slice %arg3[%run_scoped3A_245, %mul3A_2] : memref<8x512xf32, #tpu.memory_space<hbm>> -> memref<1x16xf32, #tpu.memory_space<hbm>>
      %dma_start3A_378 = tpu.memref_squeeze %dma_start3A_377 : memref<1x16xf32, #tpu.memory_space<hbm>> -> memref<16xf32, #tpu.memory_space<hbm>>
      %dma_start3A_379 = arith.constant 0 : i32
      %dma_start3A_380 = tpu.memref_slice %arg5[%run_scoped3A_244, %dma_start3A_379] : memref<8x16xf32, #tpu.memory_space<vmem>> -> memref<1x16xf32, #tpu.memory_space<vmem>>
      %dma_start3A_381 = tpu.memref_squeeze %dma_start3A_380 : memref<1x16xf32, #tpu.memory_space<vmem>> -> memref<16xf32, #tpu.memory_space<vmem>>
      tpu.enqueue_dma source(%dma_start3A_381 : memref<16xf32, #tpu.memory_space<vmem>>) target(%dma_start3A_378 : memref<16xf32, #tpu.memory_space<hbm>>) target_semaphore(%run_scoped3A_372 : memref<!tpu.dma_semaphore, #tpu.memory_space<semaphore_mem>>)
      %dma_wait3A = arith.constant 0 : i32
      %dma_wait3A_382 = tpu.memref_slice %arg5[%run_scoped3A_244, %dma_wait3A] : memref<8x16xf32, #tpu.memory_space<vmem>> -> memref<1x16xf32, #tpu.memory_space<vmem>>
      %dma_wait3A_383 = tpu.memref_squeeze %dma_wait3A_382 : memref<1x16xf32, #tpu.memory_space<vmem>> -> memref<16xf32, #tpu.memory_space<vmem>>
      %dma_wait3A_384 = tpu.memref_slice %arg3[%run_scoped3A_245, %mul3A_2] : memref<8x512xf32, #tpu.memory_space<hbm>> -> memref<1x16xf32, #tpu.memory_space<hbm>>
      %dma_wait3A_385 = tpu.memref_squeeze %dma_wait3A_384 : memref<1x16xf32, #tpu.memory_space<hbm>> -> memref<16xf32, #tpu.memory_space<hbm>>
      %dma_wait3A_386 = tpu.memref_slice %arg3[%run_scoped3A_245, %mul3A_2] : memref<8x512xf32, #tpu.memory_space<hbm>> -> memref<1x16xf32, #tpu.memory_space<hbm>>
      %dma_wait3A_387 = tpu.memref_squeeze %dma_wait3A_386 : memref<1x16xf32, #tpu.memory_space<hbm>> -> memref<16xf32, #tpu.memory_space<hbm>>
      %dma_wait3A_388 = arith.constant 0 : i32
      %dma_wait3A_389 = tpu.memref_slice %arg5[%run_scoped3A_244, %dma_wait3A_388] : memref<8x16xf32, #tpu.memory_space<vmem>> -> memref<1x16xf32, #tpu.memory_space<vmem>>
      %dma_wait3A_390 = tpu.memref_squeeze %dma_wait3A_389 : memref<1x16xf32, #tpu.memory_space<vmem>> -> memref<16xf32, #tpu.memory_space<vmem>>
      tpu.wait_dma2 semaphore(%run_scoped3A_372 : memref<!tpu.dma_semaphore, #tpu.memory_space<semaphore_mem>>) src(%dma_wait3A_390 : memref<16xf32, #tpu.memory_space<vmem>>) dst(%dma_wait3A_387 : memref<16xf32, #tpu.memory_space<hbm>>)
      tpu.yield
    }) : () -> ()
    %eq3A_246 = arith.constant 2 : i32
    %eq3A_247 = vector.broadcast %eq3A_246 : i32 to vector<16xi32>
    %eq3A_248 = arith.cmpi eq, %select_n3A_113, %eq3A_247 : vector<16xi32>
    %jit3A_249 = arith.constant 0.000000e+00 : f32
    %broadcast_in_dim3A_250 = vector.broadcast %jit3A_249 : f32 to vector<16xf32>
    %select_n3A_251 = arith.select %eq3A_248, %div3A, %broadcast_in_dim3A_250 : vector<16xi1>, vector<16xf32>
    %eq3A_252 = arith.constant 2 : i32
    %eq3A_253 = vector.broadcast %eq3A_252 : i32 to vector<16xi32>
    %eq3A_254 = arith.cmpi eq, %select_n3A_202, %eq3A_253 : vector<16xi32>
    %jit3A_255 = arith.constant 0.000000e+00 : f32
    %broadcast_in_dim3A_256 = vector.broadcast %jit3A_255 : f32 to vector<16xf32>
    %select_n3A_257 = arith.select %eq3A_254, %div3A_204, %broadcast_in_dim3A_256 : vector<16xi1>, vector<16xf32>
    %add3A_258 = arith.addf %select_n3A_251, %select_n3A_257 : vector<16xf32>
    %swap3A_259 = arith.constant 2 : i32
    %swap3A_260 = arith.index_cast %swap3A_259 : i32 to index
    %swap3A_261 = arith.constant 0 : index
    %swap3A_262 = tpu.vector_load %arg5[%swap3A_260, %swap3A_261] {strides = array<i32>} : memref<8x16xf32, #tpu.memory_space<vmem>>, vector<1x16xf32>,
    %swap3A_263 = vector.shape_cast %swap3A_262 : vector<1x16xf32> to vector<16xf32>
    %swap3A_264 = vector.shape_cast %add3A_258 : vector<16xf32> to vector<1x16xf32>
    tpu.vector_store %arg5[%swap3A_260, %swap3A_261], %swap3A_264 {strides = array<i32>} : memref<8x16xf32, #tpu.memory_space<vmem>>, vector<1x16xf32>,
    %run_scoped3A_265 = arith.constant 2 : i32
    %run_scoped3A_266 = arith.constant 2 : i32
    "tpu.region"() ({
      %run_scoped3A_372 = tpu.sem_alloc : memref<!tpu.dma_semaphore, #tpu.memory_space<semaphore_mem>>
      %dma_start3A = arith.constant 0 : i32
      %dma_start3A_373 = tpu.memref_slice %arg5[%run_scoped3A_265, %dma_start3A] : memref<8x16xf32, #tpu.memory_space<vmem>> -> memref<1x16xf32, #tpu.memory_space<vmem>>
      %dma_start3A_374 = tpu.memref_squeeze %dma_start3A_373 : memref<1x16xf32, #tpu.memory_space<vmem>> -> memref<16xf32, #tpu.memory_space<vmem>>
      %dma_start3A_375 = tpu.memref_slice %arg3[%run_scoped3A_266, %mul3A_2] : memref<8x512xf32, #tpu.memory_space<hbm>> -> memref<1x16xf32, #tpu.memory_space<hbm>>
      %dma_start3A_376 = tpu.memref_squeeze %dma_start3A_375 : memref<1x16xf32, #tpu.memory_space<hbm>> -> memref<16xf32, #tpu.memory_space<hbm>>
      %dma_start3A_377 = tpu.memref_slice %arg3[%run_scoped3A_266, %mul3A_2] : memref<8x512xf32, #tpu.memory_space<hbm>> -> memref<1x16xf32, #tpu.memory_space<hbm>>
      %dma_start3A_378 = tpu.memref_squeeze %dma_start3A_377 : memref<1x16xf32, #tpu.memory_space<hbm>> -> memref<16xf32, #tpu.memory_space<hbm>>
      %dma_start3A_379 = arith.constant 0 : i32
      %dma_start3A_380 = tpu.memref_slice %arg5[%run_scoped3A_265, %dma_start3A_379] : memref<8x16xf32, #tpu.memory_space<vmem>> -> memref<1x16xf32, #tpu.memory_space<vmem>>
      %dma_start3A_381 = tpu.memref_squeeze %dma_start3A_380 : memref<1x16xf32, #tpu.memory_space<vmem>> -> memref<16xf32, #tpu.memory_space<vmem>>
      tpu.enqueue_dma source(%dma_start3A_381 : memref<16xf32, #tpu.memory_space<vmem>>) target(%dma_start3A_378 : memref<16xf32, #tpu.memory_space<hbm>>) target_semaphore(%run_scoped3A_372 : memref<!tpu.dma_semaphore, #tpu.memory_space<semaphore_mem>>)
      %dma_wait3A = arith.constant 0 : i32
      %dma_wait3A_382 = tpu.memref_slice %arg5[%run_scoped3A_265, %dma_wait3A] : memref<8x16xf32, #tpu.memory_space<vmem>> -> memref<1x16xf32, #tpu.memory_space<vmem>>
      %dma_wait3A_383 = tpu.memref_squeeze %dma_wait3A_382 : memref<1x16xf32, #tpu.memory_space<vmem>> -> memref<16xf32, #tpu.memory_space<vmem>>
      %dma_wait3A_384 = tpu.memref_slice %arg3[%run_scoped3A_266, %mul3A_2] : memref<8x512xf32, #tpu.memory_space<hbm>> -> memref<1x16xf32, #tpu.memory_space<hbm>>
      %dma_wait3A_385 = tpu.memref_squeeze %dma_wait3A_384 : memref<1x16xf32, #tpu.memory_space<hbm>> -> memref<16xf32, #tpu.memory_space<hbm>>
      %dma_wait3A_386 = tpu.memref_slice %arg3[%run_scoped3A_266, %mul3A_2] : memref<8x512xf32, #tpu.memory_space<hbm>> -> memref<1x16xf32, #tpu.memory_space<hbm>>
      %dma_wait3A_387 = tpu.memref_squeeze %dma_wait3A_386 : memref<1x16xf32, #tpu.memory_space<hbm>> -> memref<16xf32, #tpu.memory_space<hbm>>
      %dma_wait3A_388 = arith.constant 0 : i32
      %dma_wait3A_389 = tpu.memref_slice %arg5[%run_scoped3A_265, %dma_wait3A_388] : memref<8x16xf32, #tpu.memory_space<vmem>> -> memref<1x16xf32, #tpu.memory_space<vmem>>
      %dma_wait3A_390 = tpu.memref_squeeze %dma_wait3A_389 : memref<1x16xf32, #tpu.memory_space<vmem>> -> memref<16xf32, #tpu.memory_space<vmem>>
      tpu.wait_dma2 semaphore(%run_scoped3A_372 : memref<!tpu.dma_semaphore, #tpu.memory_space<semaphore_mem>>) src(%dma_wait3A_390 : memref<16xf32, #tpu.memory_space<vmem>>) dst(%dma_wait3A_387 : memref<16xf32, #tpu.memory_space<hbm>>)
      tpu.yield
    }) : () -> ()
    %eq3A_267 = arith.constant 3 : i32
    %eq3A_268 = vector.broadcast %eq3A_267 : i32 to vector<16xi32>
    %eq3A_269 = arith.cmpi eq, %select_n3A_113, %eq3A_268 : vector<16xi32>
    %jit3A_270 = arith.constant 0.000000e+00 : f32
    %broadcast_in_dim3A_271 = vector.broadcast %jit3A_270 : f32 to vector<16xf32>
    %select_n3A_272 = arith.select %eq3A_269, %div3A, %broadcast_in_dim3A_271 : vector<16xi1>, vector<16xf32>
    %eq3A_273 = arith.constant 3 : i32
    %eq3A_274 = vector.broadcast %eq3A_273 : i32 to vector<16xi32>
    %eq3A_275 = arith.cmpi eq, %select_n3A_202, %eq3A_274 : vector<16xi32>
    %jit3A_276 = arith.constant 0.000000e+00 : f32
    %broadcast_in_dim3A_277 = vector.broadcast %jit3A_276 : f32 to vector<16xf32>
    %select_n3A_278 = arith.select %eq3A_275, %div3A_204, %broadcast_in_dim3A_277 : vector<16xi1>, vector<16xf32>
    %add3A_279 = arith.addf %select_n3A_272, %select_n3A_278 : vector<16xf32>
    %swap3A_280 = arith.constant 3 : i32
    %swap3A_281 = arith.index_cast %swap3A_280 : i32 to index
    %swap3A_282 = arith.constant 0 : index
    %swap3A_283 = tpu.vector_load %arg5[%swap3A_281, %swap3A_282] {strides = array<i32>} : memref<8x16xf32, #tpu.memory_space<vmem>>, vector<1x16xf32>,
    %swap3A_284 = vector.shape_cast %swap3A_283 : vector<1x16xf32> to vector<16xf32>
    %swap3A_285 = vector.shape_cast %add3A_279 : vector<16xf32> to vector<1x16xf32>
    tpu.vector_store %arg5[%swap3A_281, %swap3A_282], %swap3A_285 {strides = array<i32>} : memref<8x16xf32, #tpu.memory_space<vmem>>, vector<1x16xf32>,
    %run_scoped3A_286 = arith.constant 3 : i32
    %run_scoped3A_287 = arith.constant 3 : i32
    "tpu.region"() ({
      %run_scoped3A_372 = tpu.sem_alloc : memref<!tpu.dma_semaphore, #tpu.memory_space<semaphore_mem>>
      %dma_start3A = arith.constant 0 : i32
      %dma_start3A_373 = tpu.memref_slice %arg5[%run_scoped3A_286, %dma_start3A] : memref<8x16xf32, #tpu.memory_space<vmem>> -> memref<1x16xf32, #tpu.memory_space<vmem>>
      %dma_start3A_374 = tpu.memref_squeeze %dma_start3A_373 : memref<1x16xf32, #tpu.memory_space<vmem>> -> memref<16xf32, #tpu.memory_space<vmem>>
      %dma_start3A_375 = tpu.memref_slice %arg3[%run_scoped3A_287, %mul3A_2] : memref<8x512xf32, #tpu.memory_space<hbm>> -> memref<1x16xf32, #tpu.memory_space<hbm>>
      %dma_start3A_376 = tpu.memref_squeeze %dma_start3A_375 : memref<1x16xf32, #tpu.memory_space<hbm>> -> memref<16xf32, #tpu.memory_space<hbm>>
      %dma_start3A_377 = tpu.memref_slice %arg3[%run_scoped3A_287, %mul3A_2] : memref<8x512xf32, #tpu.memory_space<hbm>> -> memref<1x16xf32, #tpu.memory_space<hbm>>
      %dma_start3A_378 = tpu.memref_squeeze %dma_start3A_377 : memref<1x16xf32, #tpu.memory_space<hbm>> -> memref<16xf32, #tpu.memory_space<hbm>>
      %dma_start3A_379 = arith.constant 0 : i32
      %dma_start3A_380 = tpu.memref_slice %arg5[%run_scoped3A_286, %dma_start3A_379] : memref<8x16xf32, #tpu.memory_space<vmem>> -> memref<1x16xf32, #tpu.memory_space<vmem>>
      %dma_start3A_381 = tpu.memref_squeeze %dma_start3A_380 : memref<1x16xf32, #tpu.memory_space<vmem>> -> memref<16xf32, #tpu.memory_space<vmem>>
      tpu.enqueue_dma source(%dma_start3A_381 : memref<16xf32, #tpu.memory_space<vmem>>) target(%dma_start3A_378 : memref<16xf32, #tpu.memory_space<hbm>>) target_semaphore(%run_scoped3A_372 : memref<!tpu.dma_semaphore, #tpu.memory_space<semaphore_mem>>)
      %dma_wait3A = arith.constant 0 : i32
      %dma_wait3A_382 = tpu.memref_slice %arg5[%run_scoped3A_286, %dma_wait3A] : memref<8x16xf32, #tpu.memory_space<vmem>> -> memref<1x16xf32, #tpu.memory_space<vmem>>
      %dma_wait3A_383 = tpu.memref_squeeze %dma_wait3A_382 : memref<1x16xf32, #tpu.memory_space<vmem>> -> memref<16xf32, #tpu.memory_space<vmem>>
      %dma_wait3A_384 = tpu.memref_slice %arg3[%run_scoped3A_287, %mul3A_2] : memref<8x512xf32, #tpu.memory_space<hbm>> -> memref<1x16xf32, #tpu.memory_space<hbm>>
      %dma_wait3A_385 = tpu.memref_squeeze %dma_wait3A_384 : memref<1x16xf32, #tpu.memory_space<hbm>> -> memref<16xf32, #tpu.memory_space<hbm>>
      %dma_wait3A_386 = tpu.memref_slice %arg3[%run_scoped3A_287, %mul3A_2] : memref<8x512xf32, #tpu.memory_space<hbm>> -> memref<1x16xf32, #tpu.memory_space<hbm>>
      %dma_wait3A_387 = tpu.memref_squeeze %dma_wait3A_386 : memref<1x16xf32, #tpu.memory_space<hbm>> -> memref<16xf32, #tpu.memory_space<hbm>>
      %dma_wait3A_388 = arith.constant 0 : i32
      %dma_wait3A_389 = tpu.memref_slice %arg5[%run_scoped3A_286, %dma_wait3A_388] : memref<8x16xf32, #tpu.memory_space<vmem>> -> memref<1x16xf32, #tpu.memory_space<vmem>>
      %dma_wait3A_390 = tpu.memref_squeeze %dma_wait3A_389 : memref<1x16xf32, #tpu.memory_space<vmem>> -> memref<16xf32, #tpu.memory_space<vmem>>
      tpu.wait_dma2 semaphore(%run_scoped3A_372 : memref<!tpu.dma_semaphore, #tpu.memory_space<semaphore_mem>>) src(%dma_wait3A_390 : memref<16xf32, #tpu.memory_space<vmem>>) dst(%dma_wait3A_387 : memref<16xf32, #tpu.memory_space<hbm>>)
      tpu.yield
    }) : () -> ()
    %eq3A_288 = arith.constant 4 : i32
    %eq3A_289 = vector.broadcast %eq3A_288 : i32 to vector<16xi32>
    %eq3A_290 = arith.cmpi eq, %select_n3A_113, %eq3A_289 : vector<16xi32>
    %jit3A_291 = arith.constant 0.000000e+00 : f32
    %broadcast_in_dim3A_292 = vector.broadcast %jit3A_291 : f32 to vector<16xf32>
    %select_n3A_293 = arith.select %eq3A_290, %div3A, %broadcast_in_dim3A_292 : vector<16xi1>, vector<16xf32>
    %eq3A_294 = arith.constant 4 : i32
    %eq3A_295 = vector.broadcast %eq3A_294 : i32 to vector<16xi32>
    %eq3A_296 = arith.cmpi eq, %select_n3A_202, %eq3A_295 : vector<16xi32>
    %jit3A_297 = arith.constant 0.000000e+00 : f32
    %broadcast_in_dim3A_298 = vector.broadcast %jit3A_297 : f32 to vector<16xf32>
    %select_n3A_299 = arith.select %eq3A_296, %div3A_204, %broadcast_in_dim3A_298 : vector<16xi1>, vector<16xf32>
    %add3A_300 = arith.addf %select_n3A_293, %select_n3A_299 : vector<16xf32>
    %swap3A_301 = arith.constant 4 : i32
    %swap3A_302 = arith.index_cast %swap3A_301 : i32 to index
    %swap3A_303 = arith.constant 0 : index
    %swap3A_304 = tpu.vector_load %arg5[%swap3A_302, %swap3A_303] {strides = array<i32>} : memref<8x16xf32, #tpu.memory_space<vmem>>, vector<1x16xf32>,
    %swap3A_305 = vector.shape_cast %swap3A_304 : vector<1x16xf32> to vector<16xf32>
    %swap3A_306 = vector.shape_cast %add3A_300 : vector<16xf32> to vector<1x16xf32>
    tpu.vector_store %arg5[%swap3A_302, %swap3A_303], %swap3A_306 {strides = array<i32>} : memref<8x16xf32, #tpu.memory_space<vmem>>, vector<1x16xf32>,
    %run_scoped3A_307 = arith.constant 4 : i32
    %run_scoped3A_308 = arith.constant 4 : i32
    "tpu.region"() ({
      %run_scoped3A_372 = tpu.sem_alloc : memref<!tpu.dma_semaphore, #tpu.memory_space<semaphore_mem>>
      %dma_start3A = arith.constant 0 : i32
      %dma_start3A_373 = tpu.memref_slice %arg5[%run_scoped3A_307, %dma_start3A] : memref<8x16xf32, #tpu.memory_space<vmem>> -> memref<1x16xf32, #tpu.memory_space<vmem>>
      %dma_start3A_374 = tpu.memref_squeeze %dma_start3A_373 : memref<1x16xf32, #tpu.memory_space<vmem>> -> memref<16xf32, #tpu.memory_space<vmem>>
      %dma_start3A_375 = tpu.memref_slice %arg3[%run_scoped3A_308, %mul3A_2] : memref<8x512xf32, #tpu.memory_space<hbm>> -> memref<1x16xf32, #tpu.memory_space<hbm>>
      %dma_start3A_376 = tpu.memref_squeeze %dma_start3A_375 : memref<1x16xf32, #tpu.memory_space<hbm>> -> memref<16xf32, #tpu.memory_space<hbm>>
      %dma_start3A_377 = tpu.memref_slice %arg3[%run_scoped3A_308, %mul3A_2] : memref<8x512xf32, #tpu.memory_space<hbm>> -> memref<1x16xf32, #tpu.memory_space<hbm>>
      %dma_start3A_378 = tpu.memref_squeeze %dma_start3A_377 : memref<1x16xf32, #tpu.memory_space<hbm>> -> memref<16xf32, #tpu.memory_space<hbm>>
      %dma_start3A_379 = arith.constant 0 : i32
      %dma_start3A_380 = tpu.memref_slice %arg5[%run_scoped3A_307, %dma_start3A_379] : memref<8x16xf32, #tpu.memory_space<vmem>> -> memref<1x16xf32, #tpu.memory_space<vmem>>
      %dma_start3A_381 = tpu.memref_squeeze %dma_start3A_380 : memref<1x16xf32, #tpu.memory_space<vmem>> -> memref<16xf32, #tpu.memory_space<vmem>>
      tpu.enqueue_dma source(%dma_start3A_381 : memref<16xf32, #tpu.memory_space<vmem>>) target(%dma_start3A_378 : memref<16xf32, #tpu.memory_space<hbm>>) target_semaphore(%run_scoped3A_372 : memref<!tpu.dma_semaphore, #tpu.memory_space<semaphore_mem>>)
      %dma_wait3A = arith.constant 0 : i32
      %dma_wait3A_382 = tpu.memref_slice %arg5[%run_scoped3A_307, %dma_wait3A] : memref<8x16xf32, #tpu.memory_space<vmem>> -> memref<1x16xf32, #tpu.memory_space<vmem>>
      %dma_wait3A_383 = tpu.memref_squeeze %dma_wait3A_382 : memref<1x16xf32, #tpu.memory_space<vmem>> -> memref<16xf32, #tpu.memory_space<vmem>>
      %dma_wait3A_384 = tpu.memref_slice %arg3[%run_scoped3A_308, %mul3A_2] : memref<8x512xf32, #tpu.memory_space<hbm>> -> memref<1x16xf32, #tpu.memory_space<hbm>>
      %dma_wait3A_385 = tpu.memref_squeeze %dma_wait3A_384 : memref<1x16xf32, #tpu.memory_space<hbm>> -> memref<16xf32, #tpu.memory_space<hbm>>
      %dma_wait3A_386 = tpu.memref_slice %arg3[%run_scoped3A_308, %mul3A_2] : memref<8x512xf32, #tpu.memory_space<hbm>> -> memref<1x16xf32, #tpu.memory_space<hbm>>
      %dma_wait3A_387 = tpu.memref_squeeze %dma_wait3A_386 : memref<1x16xf32, #tpu.memory_space<hbm>> -> memref<16xf32, #tpu.memory_space<hbm>>
      %dma_wait3A_388 = arith.constant 0 : i32
      %dma_wait3A_389 = tpu.memref_slice %arg5[%run_scoped3A_307, %dma_wait3A_388] : memref<8x16xf32, #tpu.memory_space<vmem>> -> memref<1x16xf32, #tpu.memory_space<vmem>>
      %dma_wait3A_390 = tpu.memref_squeeze %dma_wait3A_389 : memref<1x16xf32, #tpu.memory_space<vmem>> -> memref<16xf32, #tpu.memory_space<vmem>>
      tpu.wait_dma2 semaphore(%run_scoped3A_372 : memref<!tpu.dma_semaphore, #tpu.memory_space<semaphore_mem>>) src(%dma_wait3A_390 : memref<16xf32, #tpu.memory_space<vmem>>) dst(%dma_wait3A_387 : memref<16xf32, #tpu.memory_space<hbm>>)
      tpu.yield
    }) : () -> ()
    %eq3A_309 = arith.constant 5 : i32
    %eq3A_310 = vector.broadcast %eq3A_309 : i32 to vector<16xi32>
    %eq3A_311 = arith.cmpi eq, %select_n3A_113, %eq3A_310 : vector<16xi32>
    %jit3A_312 = arith.constant 0.000000e+00 : f32
    %broadcast_in_dim3A_313 = vector.broadcast %jit3A_312 : f32 to vector<16xf32>
    %select_n3A_314 = arith.select %eq3A_311, %div3A, %broadcast_in_dim3A_313 : vector<16xi1>, vector<16xf32>
    %eq3A_315 = arith.constant 5 : i32
    %eq3A_316 = vector.broadcast %eq3A_315 : i32 to vector<16xi32>
    %eq3A_317 = arith.cmpi eq, %select_n3A_202, %eq3A_316 : vector<16xi32>
    %jit3A_318 = arith.constant 0.000000e+00 : f32
    %broadcast_in_dim3A_319 = vector.broadcast %jit3A_318 : f32 to vector<16xf32>
    %select_n3A_320 = arith.select %eq3A_317, %div3A_204, %broadcast_in_dim3A_319 : vector<16xi1>, vector<16xf32>
    %add3A_321 = arith.addf %select_n3A_314, %select_n3A_320 : vector<16xf32>
    %swap3A_322 = arith.constant 5 : i32
    %swap3A_323 = arith.index_cast %swap3A_322 : i32 to index
    %swap3A_324 = arith.constant 0 : index
    %swap3A_325 = tpu.vector_load %arg5[%swap3A_323, %swap3A_324] {strides = array<i32>} : memref<8x16xf32, #tpu.memory_space<vmem>>, vector<1x16xf32>,
    %swap3A_326 = vector.shape_cast %swap3A_325 : vector<1x16xf32> to vector<16xf32>
    %swap3A_327 = vector.shape_cast %add3A_321 : vector<16xf32> to vector<1x16xf32>
    tpu.vector_store %arg5[%swap3A_323, %swap3A_324], %swap3A_327 {strides = array<i32>} : memref<8x16xf32, #tpu.memory_space<vmem>>, vector<1x16xf32>,
    %run_scoped3A_328 = arith.constant 5 : i32
    %run_scoped3A_329 = arith.constant 5 : i32
    "tpu.region"() ({
      %run_scoped3A_372 = tpu.sem_alloc : memref<!tpu.dma_semaphore, #tpu.memory_space<semaphore_mem>>
      %dma_start3A = arith.constant 0 : i32
      %dma_start3A_373 = tpu.memref_slice %arg5[%run_scoped3A_328, %dma_start3A] : memref<8x16xf32, #tpu.memory_space<vmem>> -> memref<1x16xf32, #tpu.memory_space<vmem>>
      %dma_start3A_374 = tpu.memref_squeeze %dma_start3A_373 : memref<1x16xf32, #tpu.memory_space<vmem>> -> memref<16xf32, #tpu.memory_space<vmem>>
      %dma_start3A_375 = tpu.memref_slice %arg3[%run_scoped3A_329, %mul3A_2] : memref<8x512xf32, #tpu.memory_space<hbm>> -> memref<1x16xf32, #tpu.memory_space<hbm>>
      %dma_start3A_376 = tpu.memref_squeeze %dma_start3A_375 : memref<1x16xf32, #tpu.memory_space<hbm>> -> memref<16xf32, #tpu.memory_space<hbm>>
      %dma_start3A_377 = tpu.memref_slice %arg3[%run_scoped3A_329, %mul3A_2] : memref<8x512xf32, #tpu.memory_space<hbm>> -> memref<1x16xf32, #tpu.memory_space<hbm>>
      %dma_start3A_378 = tpu.memref_squeeze %dma_start3A_377 : memref<1x16xf32, #tpu.memory_space<hbm>> -> memref<16xf32, #tpu.memory_space<hbm>>
      %dma_start3A_379 = arith.constant 0 : i32
      %dma_start3A_380 = tpu.memref_slice %arg5[%run_scoped3A_328, %dma_start3A_379] : memref<8x16xf32, #tpu.memory_space<vmem>> -> memref<1x16xf32, #tpu.memory_space<vmem>>
      %dma_start3A_381 = tpu.memref_squeeze %dma_start3A_380 : memref<1x16xf32, #tpu.memory_space<vmem>> -> memref<16xf32, #tpu.memory_space<vmem>>
      tpu.enqueue_dma source(%dma_start3A_381 : memref<16xf32, #tpu.memory_space<vmem>>) target(%dma_start3A_378 : memref<16xf32, #tpu.memory_space<hbm>>) target_semaphore(%run_scoped3A_372 : memref<!tpu.dma_semaphore, #tpu.memory_space<semaphore_mem>>)
      %dma_wait3A = arith.constant 0 : i32
      %dma_wait3A_382 = tpu.memref_slice %arg5[%run_scoped3A_328, %dma_wait3A] : memref<8x16xf32, #tpu.memory_space<vmem>> -> memref<1x16xf32, #tpu.memory_space<vmem>>
      %dma_wait3A_383 = tpu.memref_squeeze %dma_wait3A_382 : memref<1x16xf32, #tpu.memory_space<vmem>> -> memref<16xf32, #tpu.memory_space<vmem>>
      %dma_wait3A_384 = tpu.memref_slice %arg3[%run_scoped3A_329, %mul3A_2] : memref<8x512xf32, #tpu.memory_space<hbm>> -> memref<1x16xf32, #tpu.memory_space<hbm>>
      %dma_wait3A_385 = tpu.memref_squeeze %dma_wait3A_384 : memref<1x16xf32, #tpu.memory_space<hbm>> -> memref<16xf32, #tpu.memory_space<hbm>>
      %dma_wait3A_386 = tpu.memref_slice %arg3[%run_scoped3A_329, %mul3A_2] : memref<8x512xf32, #tpu.memory_space<hbm>> -> memref<1x16xf32, #tpu.memory_space<hbm>>
      %dma_wait3A_387 = tpu.memref_squeeze %dma_wait3A_386 : memref<1x16xf32, #tpu.memory_space<hbm>> -> memref<16xf32, #tpu.memory_space<hbm>>
      %dma_wait3A_388 = arith.constant 0 : i32
      %dma_wait3A_389 = tpu.memref_slice %arg5[%run_scoped3A_328, %dma_wait3A_388] : memref<8x16xf32, #tpu.memory_space<vmem>> -> memref<1x16xf32, #tpu.memory_space<vmem>>
      %dma_wait3A_390 = tpu.memref_squeeze %dma_wait3A_389 : memref<1x16xf32, #tpu.memory_space<vmem>> -> memref<16xf32, #tpu.memory_space<vmem>>
      tpu.wait_dma2 semaphore(%run_scoped3A_372 : memref<!tpu.dma_semaphore, #tpu.memory_space<semaphore_mem>>) src(%dma_wait3A_390 : memref<16xf32, #tpu.memory_space<vmem>>) dst(%dma_wait3A_387 : memref<16xf32, #tpu.memory_space<hbm>>)
      tpu.yield
    }) : () -> ()
    %eq3A_330 = arith.constant 6 : i32
    %eq3A_331 = vector.broadcast %eq3A_330 : i32 to vector<16xi32>
    %eq3A_332 = arith.cmpi eq, %select_n3A_113, %eq3A_331 : vector<16xi32>
    %jit3A_333 = arith.constant 0.000000e+00 : f32
    %broadcast_in_dim3A_334 = vector.broadcast %jit3A_333 : f32 to vector<16xf32>
    %select_n3A_335 = arith.select %eq3A_332, %div3A, %broadcast_in_dim3A_334 : vector<16xi1>, vector<16xf32>
    %eq3A_336 = arith.constant 6 : i32
    %eq3A_337 = vector.broadcast %eq3A_336 : i32 to vector<16xi32>
    %eq3A_338 = arith.cmpi eq, %select_n3A_202, %eq3A_337 : vector<16xi32>
    %jit3A_339 = arith.constant 0.000000e+00 : f32
    %broadcast_in_dim3A_340 = vector.broadcast %jit3A_339 : f32 to vector<16xf32>
    %select_n3A_341 = arith.select %eq3A_338, %div3A_204, %broadcast_in_dim3A_340 : vector<16xi1>, vector<16xf32>
    %add3A_342 = arith.addf %select_n3A_335, %select_n3A_341 : vector<16xf32>
    %swap3A_343 = arith.constant 6 : i32
    %swap3A_344 = arith.index_cast %swap3A_343 : i32 to index
    %swap3A_345 = arith.constant 0 : index
    %swap3A_346 = tpu.vector_load %arg5[%swap3A_344, %swap3A_345] {strides = array<i32>} : memref<8x16xf32, #tpu.memory_space<vmem>>, vector<1x16xf32>,
    %swap3A_347 = vector.shape_cast %swap3A_346 : vector<1x16xf32> to vector<16xf32>
    %swap3A_348 = vector.shape_cast %add3A_342 : vector<16xf32> to vector<1x16xf32>
    tpu.vector_store %arg5[%swap3A_344, %swap3A_345], %swap3A_348 {strides = array<i32>} : memref<8x16xf32, #tpu.memory_space<vmem>>, vector<1x16xf32>,
    %run_scoped3A_349 = arith.constant 6 : i32
    %run_scoped3A_350 = arith.constant 6 : i32
    "tpu.region"() ({
      %run_scoped3A_372 = tpu.sem_alloc : memref<!tpu.dma_semaphore, #tpu.memory_space<semaphore_mem>>
      %dma_start3A = arith.constant 0 : i32
      %dma_start3A_373 = tpu.memref_slice %arg5[%run_scoped3A_349, %dma_start3A] : memref<8x16xf32, #tpu.memory_space<vmem>> -> memref<1x16xf32, #tpu.memory_space<vmem>>
      %dma_start3A_374 = tpu.memref_squeeze %dma_start3A_373 : memref<1x16xf32, #tpu.memory_space<vmem>> -> memref<16xf32, #tpu.memory_space<vmem>>
      %dma_start3A_375 = tpu.memref_slice %arg3[%run_scoped3A_350, %mul3A_2] : memref<8x512xf32, #tpu.memory_space<hbm>> -> memref<1x16xf32, #tpu.memory_space<hbm>>
      %dma_start3A_376 = tpu.memref_squeeze %dma_start3A_375 : memref<1x16xf32, #tpu.memory_space<hbm>> -> memref<16xf32, #tpu.memory_space<hbm>>
      %dma_start3A_377 = tpu.memref_slice %arg3[%run_scoped3A_350, %mul3A_2] : memref<8x512xf32, #tpu.memory_space<hbm>> -> memref<1x16xf32, #tpu.memory_space<hbm>>
      %dma_start3A_378 = tpu.memref_squeeze %dma_start3A_377 : memref<1x16xf32, #tpu.memory_space<hbm>> -> memref<16xf32, #tpu.memory_space<hbm>>
      %dma_start3A_379 = arith.constant 0 : i32
      %dma_start3A_380 = tpu.memref_slice %arg5[%run_scoped3A_349, %dma_start3A_379] : memref<8x16xf32, #tpu.memory_space<vmem>> -> memref<1x16xf32, #tpu.memory_space<vmem>>
      %dma_start3A_381 = tpu.memref_squeeze %dma_start3A_380 : memref<1x16xf32, #tpu.memory_space<vmem>> -> memref<16xf32, #tpu.memory_space<vmem>>
      tpu.enqueue_dma source(%dma_start3A_381 : memref<16xf32, #tpu.memory_space<vmem>>) target(%dma_start3A_378 : memref<16xf32, #tpu.memory_space<hbm>>) target_semaphore(%run_scoped3A_372 : memref<!tpu.dma_semaphore, #tpu.memory_space<semaphore_mem>>)
      %dma_wait3A = arith.constant 0 : i32
      %dma_wait3A_382 = tpu.memref_slice %arg5[%run_scoped3A_349, %dma_wait3A] : memref<8x16xf32, #tpu.memory_space<vmem>> -> memref<1x16xf32, #tpu.memory_space<vmem>>
      %dma_wait3A_383 = tpu.memref_squeeze %dma_wait3A_382 : memref<1x16xf32, #tpu.memory_space<vmem>> -> memref<16xf32, #tpu.memory_space<vmem>>
      %dma_wait3A_384 = tpu.memref_slice %arg3[%run_scoped3A_350, %mul3A_2] : memref<8x512xf32, #tpu.memory_space<hbm>> -> memref<1x16xf32, #tpu.memory_space<hbm>>
      %dma_wait3A_385 = tpu.memref_squeeze %dma_wait3A_384 : memref<1x16xf32, #tpu.memory_space<hbm>> -> memref<16xf32, #tpu.memory_space<hbm>>
      %dma_wait3A_386 = tpu.memref_slice %arg3[%run_scoped3A_350, %mul3A_2] : memref<8x512xf32, #tpu.memory_space<hbm>> -> memref<1x16xf32, #tpu.memory_space<hbm>>
      %dma_wait3A_387 = tpu.memref_squeeze %dma_wait3A_386 : memref<1x16xf32, #tpu.memory_space<hbm>> -> memref<16xf32, #tpu.memory_space<hbm>>
      %dma_wait3A_388 = arith.constant 0 : i32
      %dma_wait3A_389 = tpu.memref_slice %arg5[%run_scoped3A_349, %dma_wait3A_388] : memref<8x16xf32, #tpu.memory_space<vmem>> -> memref<1x16xf32, #tpu.memory_space<vmem>>
      %dma_wait3A_390 = tpu.memref_squeeze %dma_wait3A_389 : memref<1x16xf32, #tpu.memory_space<vmem>> -> memref<16xf32, #tpu.memory_space<vmem>>
      tpu.wait_dma2 semaphore(%run_scoped3A_372 : memref<!tpu.dma_semaphore, #tpu.memory_space<semaphore_mem>>) src(%dma_wait3A_390 : memref<16xf32, #tpu.memory_space<vmem>>) dst(%dma_wait3A_387 : memref<16xf32, #tpu.memory_space<hbm>>)
      tpu.yield
    }) : () -> ()
    %eq3A_351 = arith.constant 7 : i32
    %eq3A_352 = vector.broadcast %eq3A_351 : i32 to vector<16xi32>
    %eq3A_353 = arith.cmpi eq, %select_n3A_113, %eq3A_352 : vector<16xi32>
    %jit3A_354 = arith.constant 0.000000e+00 : f32
    %broadcast_in_dim3A_355 = vector.broadcast %jit3A_354 : f32 to vector<16xf32>
    %select_n3A_356 = arith.select %eq3A_353, %div3A, %broadcast_in_dim3A_355 : vector<16xi1>, vector<16xf32>
    %eq3A_357 = arith.constant 7 : i32
    %eq3A_358 = vector.broadcast %eq3A_357 : i32 to vector<16xi32>
    %eq3A_359 = arith.cmpi eq, %select_n3A_202, %eq3A_358 : vector<16xi32>
    %jit3A_360 = arith.constant 0.000000e+00 : f32
    %broadcast_in_dim3A_361 = vector.broadcast %jit3A_360 : f32 to vector<16xf32>
    %select_n3A_362 = arith.select %eq3A_359, %div3A_204, %broadcast_in_dim3A_361 : vector<16xi1>, vector<16xf32>
    %add3A_363 = arith.addf %select_n3A_356, %select_n3A_362 : vector<16xf32>
    %swap3A_364 = arith.constant 7 : i32
    %swap3A_365 = arith.index_cast %swap3A_364 : i32 to index
    %swap3A_366 = arith.constant 0 : index
    %swap3A_367 = tpu.vector_load %arg5[%swap3A_365, %swap3A_366] {strides = array<i32>} : memref<8x16xf32, #tpu.memory_space<vmem>>, vector<1x16xf32>,
    %swap3A_368 = vector.shape_cast %swap3A_367 : vector<1x16xf32> to vector<16xf32>
    %swap3A_369 = vector.shape_cast %add3A_363 : vector<16xf32> to vector<1x16xf32>
    tpu.vector_store %arg5[%swap3A_365, %swap3A_366], %swap3A_369 {strides = array<i32>} : memref<8x16xf32, #tpu.memory_space<vmem>>, vector<1x16xf32>,
    %run_scoped3A_370 = arith.constant 7 : i32
    %run_scoped3A_371 = arith.constant 7 : i32
    "tpu.region"() ({
      %run_scoped3A_372 = tpu.sem_alloc : memref<!tpu.dma_semaphore, #tpu.memory_space<semaphore_mem>>
      %dma_start3A = arith.constant 0 : i32
      %dma_start3A_373 = tpu.memref_slice %arg5[%run_scoped3A_370, %dma_start3A] : memref<8x16xf32, #tpu.memory_space<vmem>> -> memref<1x16xf32, #tpu.memory_space<vmem>>
      %dma_start3A_374 = tpu.memref_squeeze %dma_start3A_373 : memref<1x16xf32, #tpu.memory_space<vmem>> -> memref<16xf32, #tpu.memory_space<vmem>>
      %dma_start3A_375 = tpu.memref_slice %arg3[%run_scoped3A_371, %mul3A_2] : memref<8x512xf32, #tpu.memory_space<hbm>> -> memref<1x16xf32, #tpu.memory_space<hbm>>
      %dma_start3A_376 = tpu.memref_squeeze %dma_start3A_375 : memref<1x16xf32, #tpu.memory_space<hbm>> -> memref<16xf32, #tpu.memory_space<hbm>>
      %dma_start3A_377 = tpu.memref_slice %arg3[%run_scoped3A_371, %mul3A_2] : memref<8x512xf32, #tpu.memory_space<hbm>> -> memref<1x16xf32, #tpu.memory_space<hbm>>
      %dma_start3A_378 = tpu.memref_squeeze %dma_start3A_377 : memref<1x16xf32, #tpu.memory_space<hbm>> -> memref<16xf32, #tpu.memory_space<hbm>>
      %dma_start3A_379 = arith.constant 0 : i32
      %dma_start3A_380 = tpu.memref_slice %arg5[%run_scoped3A_370, %dma_start3A_379] : memref<8x16xf32, #tpu.memory_space<vmem>> -> memref<1x16xf32, #tpu.memory_space<vmem>>
      %dma_start3A_381 = tpu.memref_squeeze %dma_start3A_380 : memref<1x16xf32, #tpu.memory_space<vmem>> -> memref<16xf32, #tpu.memory_space<vmem>>
      tpu.enqueue_dma source(%dma_start3A_381 : memref<16xf32, #tpu.memory_space<vmem>>) target(%dma_start3A_378 : memref<16xf32, #tpu.memory_space<hbm>>) target_semaphore(%run_scoped3A_372 : memref<!tpu.dma_semaphore, #tpu.memory_space<semaphore_mem>>)
      %dma_wait3A = arith.constant 0 : i32
      %dma_wait3A_382 = tpu.memref_slice %arg5[%run_scoped3A_370, %dma_wait3A] : memref<8x16xf32, #tpu.memory_space<vmem>> -> memref<1x16xf32, #tpu.memory_space<vmem>>
      %dma_wait3A_383 = tpu.memref_squeeze %dma_wait3A_382 : memref<1x16xf32, #tpu.memory_space<vmem>> -> memref<16xf32, #tpu.memory_space<vmem>>
      %dma_wait3A_384 = tpu.memref_slice %arg3[%run_scoped3A_371, %mul3A_2] : memref<8x512xf32, #tpu.memory_space<hbm>> -> memref<1x16xf32, #tpu.memory_space<hbm>>
      %dma_wait3A_385 = tpu.memref_squeeze %dma_wait3A_384 : memref<1x16xf32, #tpu.memory_space<hbm>> -> memref<16xf32, #tpu.memory_space<hbm>>
      %dma_wait3A_386 = tpu.memref_slice %arg3[%run_scoped3A_371, %mul3A_2] : memref<8x512xf32, #tpu.memory_space<hbm>> -> memref<1x16xf32, #tpu.memory_space<hbm>>
      %dma_wait3A_387 = tpu.memref_squeeze %dma_wait3A_386 : memref<1x16xf32, #tpu.memory_space<hbm>> -> memref<16xf32, #tpu.memory_space<hbm>>
      %dma_wait3A_388 = arith.constant 0 : i32
      %dma_wait3A_389 = tpu.memref_slice %arg5[%run_scoped3A_370, %dma_wait3A_388] : memref<8x16xf32, #tpu.memory_space<vmem>> -> memref<1x16xf32, #tpu.memory_space<vmem>>
      %dma_wait3A_390 = tpu.memref_squeeze %dma_wait3A_389 : memref<1x16xf32, #tpu.memory_space<vmem>> -> memref<16xf32, #tpu.memory_space<vmem>>
      tpu.wait_dma2 semaphore(%run_scoped3A_372 : memref<!tpu.dma_semaphore, #tpu.memory_space<semaphore_mem>>) src(%dma_wait3A_390 : memref<16xf32, #tpu.memory_space<vmem>>) dst(%dma_wait3A_387 : memref<16xf32, #tpu.memory_space<hbm>>)
      tpu.yield
    }) : () -> ()
    return
  }
}

module attributes {stable_mosaic.version = 14 : i64} {
  func.func @_moe_kernel(%arg0: i32, %arg1: memref<512x2048xf32, #tpu.memory_space<vmem>>, %arg2: memref<8x512xf32, #tpu.memory_space<vmem>>, %arg3: memref<2048x512xf32, #tpu.memory_space<vmem>>, %arg4: memref<2048x512xf32, #tpu.memory_space<vmem>>, %arg5: memref<512x1024xf32, #tpu.memory_space<vmem>>, %arg6: memref<1x2048x512xf32, #tpu.memory_space<vmem>>, %arg7: memref<1x2048x512xf32, #tpu.memory_space<vmem>>, %arg8: memref<1x512x1024xf32, #tpu.memory_space<vmem>>, %arg9: memref<1x1024xf32, #tpu.memory_space<vmem>>, %arg10: memref<1x1024xf32, #tpu.memory_space<vmem>>, %arg11: memref<512x1024xf32, #tpu.memory_space<vmem>>, %arg12: memref<512x1024xf32, #tpu.memory_space<vmem>>, %arg13: memref<512x8xf32, #tpu.memory_space<vmem>>) attributes {dimension_semantics = [#tpu.dimension_semantics<arbitrary>], iteration_bounds = array<i64: 9>, scalar_prefetch = 0 : i64, scratch_operands = 2 : i64, tpu.core_type = #tpu.core_type<tc>, window_params = [{pipeline_mode = #tpu.pipeline_mode<synchronous>, transform_indices = @transform_0, window_bounds = array<i64: 512, 2048>}, {pipeline_mode = #tpu.pipeline_mode<synchronous>, transform_indices = @transform_1, window_bounds = array<i64: 8, 512>}, {pipeline_mode = #tpu.pipeline_mode<synchronous>, transform_indices = @transform_2, window_bounds = array<i64: 2048, 512>}, {pipeline_mode = #tpu.pipeline_mode<synchronous>, transform_indices = @transform_3, window_bounds = array<i64: 2048, 512>}, {pipeline_mode = #tpu.pipeline_mode<synchronous>, transform_indices = @transform_4, window_bounds = array<i64: 512, 1024>}, {transform_indices = @transform_5, window_bounds = array<i64: 1, 2048, 512>}, {transform_indices = @transform_6, window_bounds = array<i64: 1, 2048, 512>}, {transform_indices = @transform_7, window_bounds = array<i64: 1, 512, 1024>}, {pipeline_mode = #tpu.pipeline_mode<synchronous>, transform_indices = @transform_8, window_bounds = array<i64: 1, 1024>}, {pipeline_mode = #tpu.pipeline_mode<synchronous>, transform_indices = @transform_9, window_bounds = array<i64: 1, 1024>}, {pipeline_mode = #tpu.pipeline_mode<synchronous>, transform_indices = @transform_10, window_bounds = array<i64: 512, 1024>}]} {
    %eq3A = arith.constant 0 : i32
    %eq3A_0 = arith.cmpi eq, %arg0, %eq3A : i32
    %convert_element_type3A = arith.extui %eq3A_0 : i1 to i32
    %cond3A = arith.constant 0 : i32
    %cond3A_1 = arith.cmpi ne, %convert_element_type3A, %cond3A : i32
    scf.if %cond3A_1 {
      %get3A = arith.constant 0 : index
      %get3A_11 = arith.constant 0 : index
      %get3A_12 = vector.load %arg2[%get3A, %get3A_11] : memref<8x512xf32, #tpu.memory_space<vmem>>, vector<8x512xf32>
      %transpose3A = tpu.transpose %get3A_12, [1, 0] : vector<8x512xf32> -> vector<512x8xf32>
      %swap3A = arith.constant 0 : index
      %swap3A_13 = arith.constant 0 : index
      %swap3A_14 = vector.load %arg13[%swap3A, %swap3A_13] : memref<512x8xf32, #tpu.memory_space<vmem>>, vector<512x8xf32>
      tpu.vector_store %arg13[%swap3A, %swap3A_13], %transpose3A {strides = array<i32>} : memref<512x8xf32, #tpu.memory_space<vmem>>, vector<512x8xf32>,
      %get3A_15 = arith.constant 0 : index
      %get3A_16 = arith.constant 0 : index
      %get3A_17 = vector.load %arg1[%get3A_15, %get3A_16] : memref<512x2048xf32, #tpu.memory_space<vmem>>, vector<512x2048xf32>
      %get3A_18 = arith.constant 0 : index
      %get3A_19 = arith.constant 0 : index
      %get3A_20 = vector.load %arg3[%get3A_18, %get3A_19] : memref<2048x512xf32, #tpu.memory_space<vmem>>, vector<2048x512xf32>
      %get3A_21 = arith.constant 0 : index
      %get3A_22 = arith.constant 0 : index
      %get3A_23 = vector.load %arg4[%get3A_21, %get3A_22] : memref<2048x512xf32, #tpu.memory_space<vmem>>, vector<2048x512xf32>
      %get3A_24 = arith.constant 0 : index
      %get3A_25 = arith.constant 0 : index
      %get3A_26 = vector.load %arg5[%get3A_24, %get3A_25] : memref<512x1024xf32, #tpu.memory_space<vmem>>, vector<512x1024xf32>
      %dot_general3A = arith.constant dense<0.000000e+00> : vector<512x512xf32>
      %dot_general3A_27 = tpu.matmul %get3A_17, %get3A_20, %dot_general3A {dimension_numbers = #tpu.dot_dimension_numbers<[1], [0], [0], [1], [0, 0, 1, 1], [], []>, transpose_lhs_hint = false} : vector<512x2048xf32>, vector<2048x512xf32>, vector<512x512xf32> -> vector<512x512xf32>
      %dot_general3A_28 = arith.constant dense<0.000000e+00> : vector<512x512xf32>
      %dot_general3A_29 = tpu.matmul %get3A_17, %get3A_23, %dot_general3A_28 {dimension_numbers = #tpu.dot_dimension_numbers<[1], [0], [0], [1], [0, 0, 1, 1], [], []>, transpose_lhs_hint = false} : vector<512x2048xf32>, vector<2048x512xf32>, vector<512x512xf32> -> vector<512x512xf32>
      %logistic3A = arith.negf %dot_general3A_27 : vector<512x512xf32>
      %logistic3A_30 = math.exp %logistic3A : vector<512x512xf32>
      %logistic3A_31 = arith.constant 1.000000e+00 : f32
      %logistic3A_32 = vector.broadcast %logistic3A_31 : f32 to vector<512x512xf32>
      %logistic3A_33 = arith.addf %logistic3A_32, %logistic3A_30 : vector<512x512xf32>
      %logistic3A_34 = arith.divf %logistic3A_32, %logistic3A_33 : vector<512x512xf32>
      %mul3A = arith.mulf %dot_general3A_27, %logistic3A_34 : vector<512x512xf32>
      %mul3A_35 = arith.mulf %mul3A, %dot_general3A_29 : vector<512x512xf32>
      %mul3A_36 = arith.constant 1.000000e+00 : f32
      %mul3A_37 = vector.broadcast %mul3A_36 : f32 to vector<512x512xf32>
      %mul3A_38 = arith.mulf %mul3A_35, %mul3A_37 : vector<512x512xf32>
      %dot_general3A_39 = arith.constant dense<0.000000e+00> : vector<512x1024xf32>
      %dot_general3A_40 = tpu.matmul %mul3A_38, %get3A_26, %dot_general3A_39 {dimension_numbers = #tpu.dot_dimension_numbers<[1], [0], [0], [1], [0, 0, 1, 1], [], []>, transpose_lhs_hint = false} : vector<512x512xf32>, vector<512x1024xf32>, vector<512x1024xf32> -> vector<512x1024xf32>
      %swap3A_41 = arith.constant 0 : index
      %swap3A_42 = arith.constant 0 : index
      %swap3A_43 = vector.load %arg12[%swap3A_41, %swap3A_42] : memref<512x1024xf32, #tpu.memory_space<vmem>>, vector<512x1024xf32>
      tpu.vector_store %arg12[%swap3A_41, %swap3A_42], %dot_general3A_40 {strides = array<i32>} : memref<512x1024xf32, #tpu.memory_space<vmem>>, vector<512x1024xf32>,
      %not3A = arith.constant true
      %not3A_44 = arith.constant true
      %not3A_45 = arith.xori %not3A, %not3A_44 : i1
      %convert_element_type3A_46 = arith.extui %not3A_45 : i1 to i32
      %cond3A_47 = arith.constant 0 : i32
      %cond3A_48 = arith.cmpi ne, %convert_element_type3A_46, %cond3A_47 : i32
      scf.if %cond3A_48 {
        %get3A_49 = arith.constant 0 : index
        %get3A_50 = arith.constant 0 : index
        %get3A_51 = vector.load %arg12[%get3A_49, %get3A_50] : memref<512x1024xf32, #tpu.memory_space<vmem>>, vector<512x1024xf32>
        %add3A = arith.addf %get3A_51, %dot_general3A_40 : vector<512x1024xf32>
        %swap3A_52 = arith.constant 0 : index
        %swap3A_53 = arith.constant 0 : index
        %swap3A_54 = vector.load %arg12[%swap3A_52, %swap3A_53] : memref<512x1024xf32, #tpu.memory_space<vmem>>, vector<512x1024xf32>
        tpu.vector_store %arg12[%swap3A_52, %swap3A_53], %add3A {strides = array<i32>} : memref<512x1024xf32, #tpu.memory_space<vmem>>, vector<512x1024xf32>,
      } else {
      }
    } else {
    }
    %gt3A = arith.constant 0 : i32
    %gt3A_2 = arith.cmpi sgt, %arg0, %gt3A : i32
    %convert_element_type3A_3 = arith.extui %gt3A_2 : i1 to i32
    %cond3A_4 = arith.constant 0 : i32
    %cond3A_5 = arith.cmpi ne, %convert_element_type3A_3, %cond3A_4 : i32
    scf.if %cond3A_5 {
      %sub3A = arith.constant 1 : i32
      %sub3A_11 = arith.subi %arg0, %sub3A : i32
      %iota3A = tpu.iota {dimensions = array<i32: 1>} : vector<512x8xi32>
      %get3A = arith.constant 0 : index
      %get3A_12 = arith.constant 0 : index
      %get3A_13 = vector.load %arg13[%get3A, %get3A_12] : memref<512x8xf32, #tpu.memory_space<vmem>>, vector<512x8xf32>
      %eq3A_14 = vector.broadcast %sub3A_11 : i32 to vector<512x8xi32>
      %eq3A_15 = arith.cmpi eq, %iota3A, %eq3A_14 : vector<512x8xi32>
      %convert_element_type3A_16 = arith.extui %eq3A_15 : vector<512x8xi1> to vector<512x8xi32>
      %convert_element_type3A_17 = arith.sitofp %convert_element_type3A_16 : vector<512x8xi32> to vector<512x8xf32>
      %mul3A = arith.mulf %get3A_13, %convert_element_type3A_17 : vector<512x8xf32>
      %reduce_sum3A = arith.constant dense<0.000000e+00> : vector<512xf32>
      %reduce_sum3A_18 = vector.multi_reduction <add>, %mul3A, %reduce_sum3A [1] : vector<512x8xf32> to vector<512xf32>
      %broadcast_in_dim3A = vector.shape_cast %reduce_sum3A_18 : vector<512xf32> to vector<512x1xf32>
      %get3A_19 = arith.constant 0 : index
      %get3A_20 = arith.constant 0 : index
      %get3A_21 = vector.load %arg1[%get3A_19, %get3A_20] : memref<512x2048xf32, #tpu.memory_space<vmem>>, vector<512x2048xf32>
      %get3A_22 = arith.constant 0 : index
      %get3A_23 = arith.constant 0 : index
      %get3A_24 = arith.constant 0 : index
      %get3A_25 = vector.load %arg6[%get3A_22, %get3A_23, %get3A_24] : memref<1x2048x512xf32, #tpu.memory_space<vmem>>, vector<1x2048x512xf32>
      %get3A_26 = vector.shape_cast %get3A_25 : vector<1x2048x512xf32> to vector<2048x512xf32>
      %get3A_27 = arith.constant 0 : index
      %get3A_28 = arith.constant 0 : index
      %get3A_29 = arith.constant 0 : index
      %get3A_30 = vector.load %arg7[%get3A_27, %get3A_28, %get3A_29] : memref<1x2048x512xf32, #tpu.memory_space<vmem>>, vector<1x2048x512xf32>
      %get3A_31 = vector.shape_cast %get3A_30 : vector<1x2048x512xf32> to vector<2048x512xf32>
      %get3A_32 = arith.constant 0 : index
      %get3A_33 = arith.constant 0 : index
      %get3A_34 = arith.constant 0 : index
      %get3A_35 = vector.load %arg8[%get3A_32, %get3A_33, %get3A_34] : memref<1x512x1024xf32, #tpu.memory_space<vmem>>, vector<1x512x1024xf32>
      %get3A_36 = vector.shape_cast %get3A_35 : vector<1x512x1024xf32> to vector<512x1024xf32>
      %dot_general3A = arith.constant dense<0.000000e+00> : vector<512x512xf32>
      %dot_general3A_37 = tpu.matmul %get3A_21, %get3A_26, %dot_general3A {dimension_numbers = #tpu.dot_dimension_numbers<[1], [0], [0], [1], [0, 0, 1, 1], [], []>, transpose_lhs_hint = false} : vector<512x2048xf32>, vector<2048x512xf32>, vector<512x512xf32> -> vector<512x512xf32>
      %dot_general3A_38 = arith.constant dense<0.000000e+00> : vector<512x512xf32>
      %dot_general3A_39 = tpu.matmul %get3A_21, %get3A_31, %dot_general3A_38 {dimension_numbers = #tpu.dot_dimension_numbers<[1], [0], [0], [1], [0, 0, 1, 1], [], []>, transpose_lhs_hint = false} : vector<512x2048xf32>, vector<2048x512xf32>, vector<512x512xf32> -> vector<512x512xf32>
      %logistic3A = arith.negf %dot_general3A_37 : vector<512x512xf32>
      %logistic3A_40 = math.exp %logistic3A : vector<512x512xf32>
      %logistic3A_41 = arith.constant 1.000000e+00 : f32
      %logistic3A_42 = vector.broadcast %logistic3A_41 : f32 to vector<512x512xf32>
      %logistic3A_43 = arith.addf %logistic3A_42, %logistic3A_40 : vector<512x512xf32>
      %logistic3A_44 = arith.divf %logistic3A_42, %logistic3A_43 : vector<512x512xf32>
      %mul3A_45 = arith.mulf %dot_general3A_37, %logistic3A_44 : vector<512x512xf32>
      %mul3A_46 = arith.mulf %mul3A_45, %dot_general3A_39 : vector<512x512xf32>
      %mul3A_47 = vector.broadcast %broadcast_in_dim3A : vector<512x1xf32> to vector<512x512xf32>
      %mul3A_48 = arith.mulf %mul3A_46, %mul3A_47 : vector<512x512xf32>
      %dot_general3A_49 = arith.constant dense<0.000000e+00> : vector<512x1024xf32>
      %dot_general3A_50 = tpu.matmul %mul3A_48, %get3A_36, %dot_general3A_49 {dimension_numbers = #tpu.dot_dimension_numbers<[1], [0], [0], [1], [0, 0, 1, 1], [], []>, transpose_lhs_hint = false} : vector<512x512xf32>, vector<512x1024xf32>, vector<512x1024xf32> -> vector<512x1024xf32>
      %not3A = arith.constant false
      %not3A_51 = arith.constant true
      %not3A_52 = arith.xori %not3A, %not3A_51 : i1
      %convert_element_type3A_53 = arith.extui %not3A_52 : i1 to i32
      %cond3A_54 = arith.constant 0 : i32
      %cond3A_55 = arith.cmpi ne, %convert_element_type3A_53, %cond3A_54 : i32
      scf.if %cond3A_55 {
        %get3A_56 = arith.constant 0 : index
        %get3A_57 = arith.constant 0 : index
        %get3A_58 = vector.load %arg12[%get3A_56, %get3A_57] : memref<512x1024xf32, #tpu.memory_space<vmem>>, vector<512x1024xf32>
        %add3A = arith.addf %get3A_58, %dot_general3A_50 : vector<512x1024xf32>
        %swap3A = arith.constant 0 : index
        %swap3A_59 = arith.constant 0 : index
        %swap3A_60 = vector.load %arg12[%swap3A, %swap3A_59] : memref<512x1024xf32, #tpu.memory_space<vmem>>, vector<512x1024xf32>
        tpu.vector_store %arg12[%swap3A, %swap3A_59], %add3A {strides = array<i32>} : memref<512x1024xf32, #tpu.memory_space<vmem>>, vector<512x1024xf32>,
      } else {
      }
    } else {
    }
    %eq3A_6 = arith.constant 8 : i32
    %eq3A_7 = arith.cmpi eq, %arg0, %eq3A_6 : i32
    %convert_element_type3A_8 = arith.extui %eq3A_7 : i1 to i32
    %cond3A_9 = arith.constant 0 : i32
    %cond3A_10 = arith.cmpi ne, %convert_element_type3A_8, %cond3A_9 : i32
    scf.if %cond3A_10 {
      %get3A = arith.constant 0 : index
      %get3A_11 = arith.constant 0 : index
      %get3A_12 = vector.load %arg12[%get3A, %get3A_11] : memref<512x1024xf32, #tpu.memory_space<vmem>>, vector<512x1024xf32>
      %get3A_13 = arith.constant 0 : index
      %get3A_14 = arith.constant 0 : index
      %get3A_15 = vector.load %arg9[%get3A_13, %get3A_14] : memref<1x1024xf32, #tpu.memory_space<vmem>>, vector<1x1024xf32>
      %mul3A = vector.broadcast %get3A_15 : vector<1x1024xf32> to vector<512x1024xf32>
      %mul3A_16 = arith.mulf %get3A_12, %mul3A : vector<512x1024xf32>
      %mul3A_17 = arith.mulf %mul3A_16, %mul3A_16 : vector<512x1024xf32>
      %reduce_sum3A = arith.constant dense<0.000000e+00> : vector<512xf32>
      %reduce_sum3A_18 = vector.multi_reduction <add>, %mul3A_17, %reduce_sum3A [1] : vector<512x1024xf32> to vector<512xf32>
      %broadcast_in_dim3A = vector.shape_cast %reduce_sum3A_18 : vector<512xf32> to vector<512x1xf32>
      %div3A = arith.constant 1.024000e+03 : f32
      %div3A_19 = vector.broadcast %div3A : f32 to vector<512x1xf32>
      %div3A_20 = arith.divf %broadcast_in_dim3A, %div3A_19 : vector<512x1xf32>
      %add3A = arith.constant 9.99999997E-7 : f32
      %add3A_21 = vector.broadcast %add3A : f32 to vector<512x1xf32>
      %add3A_22 = arith.addf %div3A_20, %add3A_21 : vector<512x1xf32>
      %rsqrt3A = math.rsqrt %add3A_22 : vector<512x1xf32>
      %mul3A_23 = vector.broadcast %rsqrt3A : vector<512x1xf32> to vector<512x1024xf32>
      %mul3A_24 = arith.mulf %mul3A_16, %mul3A_23 : vector<512x1024xf32>
      %get3A_25 = arith.constant 0 : index
      %get3A_26 = arith.constant 0 : index
      %get3A_27 = vector.load %arg10[%get3A_25, %get3A_26] : memref<1x1024xf32, #tpu.memory_space<vmem>>, vector<1x1024xf32>
      %mul3A_28 = vector.broadcast %get3A_27 : vector<1x1024xf32> to vector<512x1024xf32>
      %mul3A_29 = arith.mulf %mul3A_24, %mul3A_28 : vector<512x1024xf32>
      %swap3A = arith.constant 0 : index
      %swap3A_30 = arith.constant 0 : index
      %swap3A_31 = vector.load %arg11[%swap3A, %swap3A_30] : memref<512x1024xf32, #tpu.memory_space<vmem>>, vector<512x1024xf32>
      tpu.vector_store %arg11[%swap3A, %swap3A_30], %mul3A_29 {strides = array<i32>} : memref<512x1024xf32, #tpu.memory_space<vmem>>, vector<512x1024xf32>,
    } else {
    }
    return
  }
  func.func @transform_0(%arg0: i32) -> (i32, i32) {
    %c0_i32 = arith.constant 0 : i32
    %c0_i32_0 = arith.constant 0 : i32
    %c0_i32_1 = arith.constant 0 : i32
    return %c0_i32, %c0_i32_0 : i32, i32
  }
  func.func @transform_1(%arg0: i32) -> (i32, i32) {
    %c0_i32 = arith.constant 0 : i32
    %c0_i32_0 = arith.constant 0 : i32
    %c0_i32_1 = arith.constant 0 : i32
    return %c0_i32, %c0_i32_0 : i32, i32
  }
  func.func @transform_2(%arg0: i32) -> (i32, i32) {
    %c0_i32 = arith.constant 0 : i32
    %c0_i32_0 = arith.constant 0 : i32
    %c0_i32_1 = arith.constant 0 : i32
    return %c0_i32, %c0_i32_0 : i32, i32
  }
  func.func @transform_3(%arg0: i32) -> (i32, i32) {
    %c0_i32 = arith.constant 0 : i32
    %c0_i32_0 = arith.constant 0 : i32
    %c0_i32_1 = arith.constant 0 : i32
    return %c0_i32, %c0_i32_0 : i32, i32
  }
  func.func @transform_4(%arg0: i32) -> (i32, i32) {
    %c0_i32 = arith.constant 0 : i32
    %c0_i32_0 = arith.constant 0 : i32
    %c0_i32_1 = arith.constant 0 : i32
    return %c0_i32, %c0_i32_0 : i32, i32
  }
  func.func @transform_5(%arg0: i32) -> (i32, i32, i32) {
    %sub3A = arith.constant 1 : i32
    %sub3A_0 = arith.subi %arg0, %sub3A : i32
    %max3A = arith.constant 0 : i32
    %max3A_1 = arith.maxsi %sub3A_0, %max3A : i32
    %c0_i32 = arith.constant 0 : i32
    %c0_i32_2 = arith.constant 0 : i32
    %c0_i32_3 = arith.constant 0 : i32
    return %max3A_1, %c0_i32, %c0_i32_2 : i32, i32, i32
  }
  func.func @transform_6(%arg0: i32) -> (i32, i32, i32) {
    %sub3A = arith.constant 1 : i32
    %sub3A_0 = arith.subi %arg0, %sub3A : i32
    %max3A = arith.constant 0 : i32
    %max3A_1 = arith.maxsi %sub3A_0, %max3A : i32
    %c0_i32 = arith.constant 0 : i32
    %c0_i32_2 = arith.constant 0 : i32
    %c0_i32_3 = arith.constant 0 : i32
    return %max3A_1, %c0_i32, %c0_i32_2 : i32, i32, i32
  }
  func.func @transform_7(%arg0: i32) -> (i32, i32, i32) {
    %sub3A = arith.constant 1 : i32
    %sub3A_0 = arith.subi %arg0, %sub3A : i32
    %max3A = arith.constant 0 : i32
    %max3A_1 = arith.maxsi %sub3A_0, %max3A : i32
    %c0_i32 = arith.constant 0 : i32
    %c0_i32_2 = arith.constant 0 : i32
    %c0_i32_3 = arith.constant 0 : i32
    return %max3A_1, %c0_i32, %c0_i32_2 : i32, i32, i32
  }
  func.func @transform_8(%arg0: i32) -> (i32, i32) {
    %c0_i32 = arith.constant 0 : i32
    %c0_i32_0 = arith.constant 0 : i32
    %c0_i32_1 = arith.constant 0 : i32
    return %c0_i32, %c0_i32_0 : i32, i32
  }
  func.func @transform_9(%arg0: i32) -> (i32, i32) {
    %c0_i32 = arith.constant 0 : i32
    %c0_i32_0 = arith.constant 0 : i32
    %c0_i32_1 = arith.constant 0 : i32
    return %c0_i32, %c0_i32_0 : i32, i32
  }
  func.func @transform_10(%arg0: i32) -> (i32, i32) {
    %c0_i32 = arith.constant 0 : i32
    %c0_i32_0 = arith.constant 0 : i32
    %c0_i32_1 = arith.constant 0 : i32
    return %c0_i32, %c0_i32_0 : i32, i32
  }
}

module attributes {stable_mosaic.version = 14 : i64} {
  func.func @_prep_kernel(%arg0: memref<2048x512xf32, #tpu.memory_space<vmem>>, %arg1: memref<1x2048xf32, #tpu.memory_space<vmem>>, %arg2: memref<2048x8xf32, #tpu.memory_space<vmem>>, %arg3: memref<512x2048xf32, #tpu.memory_space<vmem>>, %arg4: memref<8x512xf32, #tpu.memory_space<vmem>>) attributes {dimension_semantics = [], scalar_prefetch = 0 : i64, scratch_operands = 0 : i64, tpu.core_type = #tpu.core_type<tc>} {
    %get3A = arith.constant 0 : index
    %get3A_0 = arith.constant 0 : index
    %get3A_1 = vector.load %arg0[%get3A, %get3A_0] : memref<2048x512xf32, #tpu.memory_space<vmem>>, vector<2048x512xf32>
    %reshape3A = vector.shape_cast %get3A_1 : vector<2048x512xf32> to vector<512x2048xf32>
    %mul3A = arith.mulf %reshape3A, %reshape3A : vector<512x2048xf32>
    %reduce_sum3A = arith.constant dense<0.000000e+00> : vector<512xf32>
    %reduce_sum3A_2 = vector.multi_reduction <add>, %mul3A, %reduce_sum3A [1] : vector<512x2048xf32> to vector<512xf32>
    %broadcast_in_dim3A = vector.shape_cast %reduce_sum3A_2 : vector<512xf32> to vector<512x1xf32>
    %div3A = arith.constant 2.048000e+03 : f32
    %div3A_3 = vector.broadcast %div3A : f32 to vector<512x1xf32>
    %div3A_4 = arith.divf %broadcast_in_dim3A, %div3A_3 : vector<512x1xf32>
    %add3A = arith.constant 9.99999997E-7 : f32
    %add3A_5 = vector.broadcast %add3A : f32 to vector<512x1xf32>
    %add3A_6 = arith.addf %div3A_4, %add3A_5 : vector<512x1xf32>
    %rsqrt3A = math.rsqrt %add3A_6 : vector<512x1xf32>
    %mul3A_7 = vector.broadcast %rsqrt3A : vector<512x1xf32> to vector<512x2048xf32>
    %mul3A_8 = arith.mulf %reshape3A, %mul3A_7 : vector<512x2048xf32>
    %get3A_9 = arith.constant 0 : index
    %get3A_10 = arith.constant 0 : index
    %get3A_11 = vector.load %arg1[%get3A_9, %get3A_10] : memref<1x2048xf32, #tpu.memory_space<vmem>>, vector<1x2048xf32>
    %mul3A_12 = vector.broadcast %get3A_11 : vector<1x2048xf32> to vector<512x2048xf32>
    %mul3A_13 = arith.mulf %mul3A_8, %mul3A_12 : vector<512x2048xf32>
    %swap3A = arith.constant 0 : index
    %swap3A_14 = arith.constant 0 : index
    %swap3A_15 = vector.load %arg3[%swap3A, %swap3A_14] : memref<512x2048xf32, #tpu.memory_space<vmem>>, vector<512x2048xf32>
    tpu.vector_store %arg3[%swap3A, %swap3A_14], %mul3A_13 {strides = array<i32>} : memref<512x2048xf32, #tpu.memory_space<vmem>>, vector<512x2048xf32>,
    %get3A_16 = arith.constant 0 : index
    %get3A_17 = arith.constant 0 : index
    %get3A_18 = vector.load %arg2[%get3A_16, %get3A_17] : memref<2048x8xf32, #tpu.memory_space<vmem>>, vector<2048x8xf32>
    %dot_general3A = arith.constant dense<0.000000e+00> : vector<512x8xf32>
    %dot_general3A_19 = tpu.matmul %mul3A_13, %get3A_18, %dot_general3A {dimension_numbers = #tpu.dot_dimension_numbers<[1], [0], [0], [1], [0, 0, 1, 1], [], []>, transpose_lhs_hint = false} : vector<512x2048xf32>, vector<2048x8xf32>, vector<512x8xf32> -> vector<512x8xf32>
    %transpose3A = tpu.transpose %dot_general3A_19, [1, 0] : vector<512x8xf32> -> vector<8x512xf32>
    %swap3A_20 = arith.constant 0 : index
    %swap3A_21 = arith.constant 0 : index
    %swap3A_22 = vector.load %arg4[%swap3A_20, %swap3A_21] : memref<8x512xf32, #tpu.memory_space<vmem>>, vector<8x512xf32>
    tpu.vector_store %arg4[%swap3A_20, %swap3A_21], %transpose3A {strides = array<i32>} : memref<8x512xf32, #tpu.memory_space<vmem>>, vector<8x512xf32>,
    return
  }
}

</mosaic_0001>

<sc_bundles>
// kernel: kernel.5.cloned.1.call-start
scs
__scs_entry_jumppad:
0x0: {  	(pc) =	sbr.rel $0x88, $3  }
0x1: {  	(tag) =	ssettag $0x0;
	lr =	simm.s32 $0x1  }
0x2: {  	[smem:$0x3F96] =	sst lr;
	_ =	strace $0xD0000000  }
0x3: {  	_ = 	snop  }
0x4: {  	_ = 	snop  }
0x5: {  	_ = 	snop  }
0x6: {  	_ = 	snop  }
0x7: {  	_ = 	snop  }
__scs_overlays_trampoline_lowered:
0x8: {  	[smem:$0x3FA5] =	sst s0  }
0x9: {  	[smem:$0x3FA6] =	sst s1  }
0xa: {  	[smem:$0x3FA7] =	sst s2  }
0xb: {  	[smem:$0x3FA8] =	sst s3  }
0xc: {  	[smem:$0x3FA9] =	sst s4  }
0xd: {  	[smem:$0x3FAA] =	sst s5  }
0xe: {  	[smem:$0x3FAB] =	sst s6  }
0xf: {  	[smem:$0x3FAC] =	sst s7  }
0x10: {  	[smem:$0x3FAD] =	sst s8  }
0x11: {  	[smem:$0x3FAE] =	sst s9;
	s0 =	simm.s32 @!p0 $0x0  }
0x12: {  	s1 =	sld [smem:$0x3F94];
	s0 =	simm.s32 @p0 $0x1  }
0x13: {  	[smem:$0x3FAF] =	sst s0;
	s0 =	simm.s32 @!p1 $0x0  }
0x14: {  	s2 =	sld [smem:$0x3F93];
	s0 =	simm.s32 @p1 $0x1  }
0x15: {  	[smem:$0x3FB0] =	sst s0;
	s0 =	simm.s32 @!p2 $0x0  }
0x16: {  	s3 =	sld [smem:$0x3FDB];
	s0 =	simm.s32 @p2 $0x1  }
0x17: {  	s4 =	simm.s32 $0x1BF5;
	[smem:$0x3FB2] =	sst s0  }
0x18: {  	s0 =	sld [smem:$0x3F95];
	_ =	swait.ge [sflag:s4], $0x0  }
0x19: {  	s7 =	sld [smem:$0x3F96]  }
0x1a: {  	s8 =	sadd.s32 $0xFFFFE003, lr  }
0x1b: {  	s9 =	sadd.s32 $0xFFFFFEF7, lr;
	s5 =	simm.s32 $0xFFFFFFFF;
	p2 =	slt.u32 s8, $0xFFFFF086  }
0x1c: {  	p1 =	slt.u32 s9, $0xF7A;
	s5 =	simm.s32 @!p2 $0x0  }
0x1d: {  	s5 =	simm.s32 @p1 $0x1;
	p0 =	seq.s32 s7, s2  }
0x1e: {  	s7 =	smul.u32 @!p0 $0xF7A, s2;
	p2 =	seq.s32 @!p0 s5, $0x0  }
0x1f: {  	s9 =	smul.u32 $0xF7A, s1;
	s8 =	simm.s32 @!p0 $0x1BF5;
	p2 =	por !p2, p0  }
0x20: {  	[sflag:s8] =	ssyncset.s32 @!p0 $0xFFFFF086;
	s6 =	sadd.s32 @!p0 s3, s7;
	s7 =	simm.s32 @!p0 $0x108  }
0x21: {  	s3 =	sadd.s32 s3, s9;
	s6 =	sadd.s32 @!p0 $0x88, s6;
	s7 =	simm.s32 @p2 $0x1082  }
0x22: {  	[simem:s7], [sflag:s8] =	dma.local @!p0 [hbm:s6], $0xF7A  }
0x23: {  	s9 =	sor.u32 $0xD0000000, s2;
	s6 =	simm.s32 $0x108;
	_ =	swait.ge @!p0 [sflag:s8], $0x0  }
0x24: {  	s3 =	sadd.s32 $0x88, s3;
	s6 =	simm.s32 @!p1 $0x1082;
	[sflag:s4] =	ssyncset.s32 $0xFFFFF086  }
0x25: {  	[simem:s6], [sflag:s4] =	dma.local [hbm:s3], $0xF7A  }
0x26: {  	[smem:$0x3F96] =	sst s1;
	(tag) =	ssettag s2;
	_ =	strace s9  }
0x27: {  	s1 =	sld [smem:$0x3FA6]  }
0x28: {  	s2 =	sld [smem:$0x3FA7]  }
0x29: {  	s4 =	sld [smem:$0x3FA9]  }
0x2a: {  	p0 =	seq.s32 s5, $0x0;
	s5 =	sld [smem:$0x3FAA]  }
0x2b: {  	s6 =	sld [smem:$0x3FAB]  }
0x2c: {  	s7 =	sld [smem:$0x3FAC]  }
0x2d: {  	s3 =	simm.s32 $0x108;
	s8 =	sld [smem:$0x3FAD]  }
0x2e: {  	s3 =	simm.s32 @!p0 $0x1082;
	s9 =	sld [smem:$0x3FAE]  }
0x2f: {  	lr =	sadd.s32 s0, s3;
	s0 =	sld [smem:$0x3FA5]  }
0x30: {  	s3 =	sld [smem:$0x3FA8]  }
0x31: {  	[smem:$0x3FB1] =	sst s10  }
0x32: {  	s10 =	sld [smem:$0x3FAF];
	_ =	sdelay $0x3  }
0x33: {  	p0 =	seq.s32 s10, $0x1;
	s10 =	sld [smem:$0x3FB1];
	_ =	sdelay $0x3  }
0x34: {  	[smem:$0x3FB1] =	sst s10  }
0x35: {  	s10 =	sld [smem:$0x3FB0];
	_ =	sdelay $0x3  }
0x36: {  	p1 =	seq.s32 s10, $0x1;
	s10 =	sld [smem:$0x3FB1];
	_ =	sdelay $0x3  }
0x37: {  	[smem:$0x3FB1] =	sst s10  }
0x38: {  	s10 =	sld [smem:$0x3FB2]  }
0x39: {  	_ = 	snop;
	(pc) =	sbr.ind lr, $3  }
0x3a: {  	_ = 	snop  }
0x3b: {  	_ = 	snop  }
0x3c: {  	p2 =	seq.s32 s10, $0x1;
	s10 =	sld [smem:$0x3FB1]  }
0x3d: {  	_ =	shalt  }
0x3e: {  	_ =	shalt  }
0x3f: {  	_ =	shalt  }
0x40: {  	_ =	shalt  }
0x41: {  	_ =	shalt  }
0x42: {  	_ =	shalt  }
0x43: {  	_ =	shalt  }
0x44: {  	_ =	shalt  }
0x45: {  	_ =	shalt  }
0x46: {  	_ =	shalt  }
0x47: {  	_ =	shalt  }
0x48: {  	_ =	shalt  }
0x49: {  	_ =	shalt  }
0x4a: {  	_ =	shalt  }
0x4b: {  	_ =	shalt  }
0x4c: {  	_ =	shalt  }
0x4d: {  	_ =	shalt  }
0x4e: {  	_ =	shalt  }
0x4f: {  	_ =	shalt  }
0x50: {  	_ =	shalt  }
0x51: {  	_ =	shalt  }
0x52: {  	_ =	shalt  }
0x53: {  	_ =	shalt  }
0x54: {  	_ =	shalt  }
0x55: {  	_ =	shalt  }
0x56: {  	_ =	shalt  }
0x57: {  	_ =	shalt  }
0x58: {  	_ =	shalt  }
0x59: {  	_ =	shalt  }
0x5a: {  	_ =	shalt  }
0x5b: {  	_ =	shalt  }
0x5c: {  	_ =	shalt  }
0x5d: {  	_ =	shalt  }
0x5e: {  	_ =	shalt  }
0x5f: {  	_ =	shalt  }
0x60: {  	_ =	shalt  }
0x61: {  	_ =	shalt  }
0x62: {  	_ =	shalt  }
0x63: {  	_ =	shalt  }
0x64: {  	_ =	shalt  }
0x65: {  	_ =	shalt  }
0x66: {  	_ =	shalt  }
0x67: {  	_ =	shalt  }
0x68: {  	_ =	shalt  }
0x69: {  	_ =	shalt  }
0x6a: {  	_ =	shalt  }
0x6b: {  	_ =	shalt  }
0x6c: {  	_ =	shalt  }
0x6d: {  	_ =	shalt  }
0x6e: {  	_ =	shalt  }
0x6f: {  	_ =	shalt  }
0x70: {  	_ =	shalt  }
0x71: {  	_ =	shalt  }
0x72: {  	_ =	shalt  }
0x73: {  	_ =	shalt  }
0x74: {  	_ =	shalt  }
0x75: {  	_ =	shalt  }
0x76: {  	_ =	shalt  }
0x77: {  	_ =	shalt  }
0x78: {  	_ =	shalt  }
0x79: {  	_ =	shalt  }
0x7a: {  	_ =	shalt  }
0x7b: {  	_ =	shalt  }
0x7c: {  	_ =	shalt  }
0x7d: {  	_ =	shalt  }
0x7e: {  	_ =	shalt  }
0x7f: {  	_ =	shalt  }
0x80: {  	_ =	shalt  }
0x81: {  	_ =	shalt  }
0x82: {  	_ =	shalt  }
0x83: {  	_ =	shalt  }
0x84: {  	_ =	shalt  }
0x85: {  	_ =	shalt  }
0x86: {  	_ =	shalt  }
0x87: {  	_ =	shalt  }
.Lfunc_end0:
.L_simem_size_0:
called_computation_lowered:
.L_overlay_start_0:
0x88: {  	s2 =	sld [smem:$0x3FD9]  }
0x89: {  	s3 =	sld [smem:$0x3FFE];
	_ =	sdelay $0x1  }
0x8a: {  	s1 =	srdreg.scid  }
0x8b: {  	s0 =	sand.u32 $0x1, s1  }
0x8c: {  	s17 =	sshll.u32 s0, $0xA;
	s2 =	sadd.s32 s3, s2  }
0x8d: {  	s2 =	sadd.s32 s2, s17  }
0x8e: {  	[smem:$0x3FBD] =	sst s2  }
0x8f: {  	_ = 	snop  }
0x90: {  	s2 =	sld [smem:$0x3FD0];
	(tm) =	ssettm $0x1  }
0x91: {  	s18 =	sld [smem:$0x3FFB];
	_ =	sdelay $0x3  }
0x92: {  	_ =	strace s18  }
0x93: {  	s3 =	sld [smem:$0x3FFC];
	_ =	sdelay $0x3  }
0x94: {  	_ =	strace s3  }
0x95: {  	s3 =	sld [smem:$0x3FFD];
	_ =	sdelay $0x3  }
0x96: {  	_ =	strace s3  }
0x97: {  	_ =	strace $0x8FFFFFFF  }
0x98: {  	s19 =	sld [smem:$0x3FDB];
	_ =	sdelay $0x1  }
0x99: {  	s4 =	simm.s32 $_scs_section_size  }
0x9a: {  	s5 =	simm.s32 $_size__tile_overlayer_lowered;
	s6 =	simm.s32 $_tile_overlayer_lowered  }
0x9b: {  	s22 =	simm.s32 $0x1BFF;
	s21 =	sshll.u32 s6, $0x1;
	s3 =	sadd.s32 s4, s19  }
0x9c: {  	s7 =	simm.s32 $0x0;
	s20 =	sshll.u32 s5, $0x1;
	s5 =	sadd.s32 s21, s3  }
0x9d: {  	[timem:s7], [sflag:s22] =	dma.local [hbm:s5], s20  }
0x9e: {  	_ =	swait.ge [sflag:s22], s20  }
0x9f: {  	s4 =	ssub.s32 $0x0, s20;
	[sflag:s22] =	ssyncset.done $0x0  }
0xa0: {  	[sflag:s22] =	ssyncadd.s32 s4;
	_ =	sdelay $0x1  }
0xa1: {  	s23 =	simm.s32 $0x1B8B  }
0xa2: {  	_ =	swait.ge [sflag:s23], $0x1  }
0xa3: {  	[sflag:s23] =	ssyncset.done $0x0  }
0xa4: {  	s25 =	simm.s32 $0x1B8E;
	s24 =	sld [smem:$0x3FFE];
	[sflag:s23] =	ssyncadd.s32 $0xFFFFFFFF  }
0xa5: {  	s26 =	simm.s32 $execute0_lowered;
	[smem:$0x3FD2] =	sst s25  }
0xa6: {  	s5 =	sshll.u32 s26, $0x1;
	_ =	strace $0x80000046;
	[dreg:$0x1] =	wrdreg $0xFFFFFFFF  }
0xa7: {  	s28 =	simm.s32 $_size_execute0_lowered;
	s3 =	sadd.s32 s3, s5;
	[dreg:$0x0] =	wrdreg $0x0  }
0xa8: {  	s5 =	sshll.u32 s28, $0x1;
	[dreg:$0x2] =	wrdreg s3  }
0xa9: {  	[dreg:$0x3] =	wrdreg s5  }
0xaa: {  	[dreg:$0x4] =	wrdreg $0xC0  }
0xab: {  	_ =	task [dreg:s7], $0x5FFFF  }
0xac: {  	[dreg:$0x1] =	wrdreg $0xFFFFFFFF  }
0xad: {  	[dreg:$0x0] =	wrdreg $0x60  }
0xae: {  	[dreg:$0x2] =	wrdreg s2  }
0xaf: {  	[dreg:$0x3] =	wrdreg s24  }
0xb0: {  	[dreg:$0x4] =	wrdreg $0x9  }
0xb1: {  	_ =	task.clear_ibuf [dreg:s7], $0x5FFFF;
	_ =	strace $0x90000046  }
0xb2: {  	s29 =	simm.s32 $0x9;
	_ =	strace $0x80000048  }
0xb3: {  	_ =	swait.ge [sflag:s29], $0x1  }
0xb4: {  	[sflag:s29] =	ssyncadd.s32 $0xFFFFFFFF  }
0xb5: {  	_ =	strace $0x90000048  }
0xb6: {  	_ =	sfence  }
0xb7: {  	s30 =	sld [smem:$0x0];
	_ =	sdelay $0x2  }
0xb8: {  	s31 =	sshll.u32 s1, $0xD;
	s1 =	sshrl.u32 s1, $0x2  }
0xb9: {  	s3 =	sand.u32 $0x4000, s31;
	s1 =	sadd.s32 s1, s30  }
0xba: {  	s0 =	sor.u32 s3, s0;
	s1 =	sshll.u32 s1, $0x11  }
0xbb: {  	s0 =	sor.u32 s1, s0  }
0xbc: {  	s0 =	sadd.s32 $0x8F2B, s0  }
0xbd: {  	[sflag:s0] =	ssyncadd.remote.s32 $0x1  }
0xbe: {  	_ =	sfence.sel $0xFFFF  }
0xbf: {  	[dreg:$0x0] =	wrdreg $0xFFFFFFFF;
	(pc) =	sbr.abs _section_cstart, $3  }
0xc0: {  	[dreg:$0x1] =	wrdreg $0xFFFFFFFF  }
0xc1: {  	_ =	task.clear_ibuf [dreg:s7], $0x2FFFF;
	_ =	strace $0x9FFFFFFF  }
0xc2: {  	(tm) =	ssettm $0x7FFFFFFF  }
0xc3: {  	_ =	shalt  }
tec
execute0_lowered:
.L_overlay_start_1:
0x0: {  	(tag) =	ssettag $0x1  }
0x1: {  	s1 =	srdreg.scid;
	s0 =	stileid.u32  }
0x2: {  	s1 =	sand.u32 $0x1, s1;
	s14 =	sshll.u32 s0, $0x5  }
0x3: {  	s4 =	sshll.u32 s0, $0x8;
	s2 =	sshll.u32 s1, $0x4;
	s3 =	sand.u32 $0x60, s14  }
0x4: {  	s22 =	sand.u32 $0xC00, s4;
	s12 =	sor.u32 s2, s3  }
0x5: {  	s13 =	rddreg [dreg:$0x0];
	s3 =	sor.u32 s22, s12  }
0x6: {  	s15 =	rddreg [dreg:$0x1];
	s2 =	simm.s32 $0x0;
	s16 =	sshrl.u32 s3, $0x3  }
0x7: {  	[smem:$0x7FF] =	sst s2;
	s3 =	sadd.s32 s13, s16;
	s17 =	sor.u32 $0x10, s16  }
0x8: {  	_ =	strace $0x80000047;
	[dreg:$0x3] =	wrdreg s3;
	s23 =	sadd.s32 s13, s17  }
0x9: {  	s19 =	sor.u32 $0x20, s16;
	[dreg:$0x4] =	wrdreg s23  }
0xa: {  	s21 =	sor.u32 $0x30, s16;
	s24 =	sadd.s32 s13, s19;
	s25 =	rddreg [dreg:$0x3]  }
0xb: {  	s26 =	sadd.s32 s13, s21;
	[dreg:$0x5] =	wrdreg s24  }
0xc: {  	s3 =	simm.s32 $0x1;
	[dreg:$0x6] =	wrdreg s26  }
0xd: {  	[tilespmem:s2], [sflag:$0x1] =	stream.linear.gather [hbm4b:s25+s2], $0x10, $0x38;
	[tilespmem:$0x800] =	vst v63  }
0xe: {  	_ =	swait.ge [sflag:s3], $0x10  }
0xf: {  	[sflag:s3] =	ssyncset.done $0x0  }
0x10: {  	s4 =	simm.s32 $0x80;
	s5 =	rddreg [dreg:$0x4];
	[sflag:s3] =	ssyncadd.s32 $0xFFFFFFF0  }
0x11: {  	[tilespmem:s4], [sflag:$0x1] =	stream.linear.gather [hbm4b:s5+s2], $0x10, $0x38;
	[tilespmem:$0x800] =	vst v63  }
0x12: {  	_ =	swait.ge [sflag:s3], $0x10  }
0x13: {  	[sflag:s3] =	ssyncset.done $0x0  }
0x14: {  	s5 =	simm.s32 $0x100;
	s6 =	rddreg [dreg:$0x5];
	[sflag:s3] =	ssyncadd.s32 $0xFFFFFFF0  }
0x15: {  	[tilespmem:s5], [sflag:$0x1] =	stream.linear.gather [hbm4b:s6+s2], $0x10, $0x38;
	[tilespmem:$0x800] =	vst v63  }
0x16: {  	_ =	swait.ge [sflag:s3], $0x10  }
0x17: {  	[sflag:s3] =	ssyncset.done $0x0  }
0x18: {  	s6 =	simm.s32 $0x180;
	s7 =	rddreg [dreg:$0x6];
	[sflag:s3] =	ssyncadd.s32 $0xFFFFFFF0  }
0x19: {  	[tilespmem:s6], [sflag:$0x1] =	stream.linear.gather [hbm4b:s7+s2], $0x10, $0x38;
	[tilespmem:$0x800] =	vst v63  }
0x1a: {  	_ =	swait.ge [sflag:s3], $0x10  }
0x1b: {  	s23 =	sor.u32 $0x40, s16;
	[sflag:s3] =	ssyncset.done $0x0  }
0x1c: {  	s8 =	simm.s32 $0x200;
	s7 =	sadd.s32 s13, s23;
	[sflag:s3] =	ssyncadd.s32 $0xFFFFFFF0  }
0x1d: {  	[tilespmem:s8], [sflag:$0x1] =	stream.linear.gather [hbm4b:s7+s2], $0x10, $0x38;
	[tilespmem:$0x800] =	vst v63  }
0x1e: {  	_ =	swait.ge [sflag:s3], $0x10  }
0x1f: {  	s25 =	sor.u32 $0x50, s16;
	[sflag:s3] =	ssyncset.done $0x0  }
0x20: {  	s10 =	simm.s32 $0x280;
	s9 =	sadd.s32 s13, s25;
	[sflag:s3] =	ssyncadd.s32 $0xFFFFFFF0  }
0x21: {  	[tilespmem:s10], [sflag:$0x1] =	stream.linear.gather [hbm4b:s9+s2], $0x10, $0x38;
	[tilespmem:$0x800] =	vst v63  }
0x22: {  	_ =	swait.ge [sflag:s3], $0x10  }
0x23: {  	s18 =	sshrl.u32 s12, $0x3;
	s28 =	sor.u32 $0x60, s16;
	[sflag:s3] =	ssyncset.done $0x0  }
0x24: {  	s12 =	simm.s32 $0x300;
	s11 =	sadd.s32 s13, s28;
	[sflag:s3] =	ssyncadd.s32 $0xFFFFFFF0  }
0x25: {  	[tilespmem:s12], [sflag:$0x1] =	stream.linear.gather [hbm4b:s11+s2], $0x10, $0x38;
	[tilespmem:$0x800] =	vst v63  }
0x26: {  	s14 =	sor.u32 s18, s14;
	_ =	swait.ge [sflag:s3], $0x10  }
0x27: {  	s30 =	sor.u32 $0x70, s14;
	[sflag:s3] =	ssyncset.done $0x0  }
0x28: {  	s14 =	simm.s32 $0x380;
	s13 =	sadd.s32 s13, s30;
	[sflag:s3] =	ssyncadd.s32 $0xFFFFFFF0  }
0x29: {  	[tilespmem:s14], [sflag:$0x1] =	stream.linear.gather [hbm4b:s13+s2], $0x10, $0x38;
	[tilespmem:$0x800] =	vst v63  }
0x2a: {  	_ =	swait.ge [sflag:s3], $0x10  }
0x2b: {  	[sflag:s3] =	ssyncset.done $0x0  }
0x2c: {  	[sflag:s3] =	ssyncadd.s32 $0xFFFFFFF0  }
0x2d: {  	v0 =	vld [tilespmem:$0x0]  }
0x2e: {  	v1 =	vld [tilespmem:$0x80]  }
0x2f: {  	v2 =	vld [tilespmem:$0x100]  }
0x30: {  	v3 =	vld [tilespmem:$0x180]  }
0x31: {  	v4 =	vld [tilespmem:$0x200]  }
0x32: {  	v5 =	vld [tilespmem:$0x280]  }
0x33: {  	v6 =	vld [tilespmem:$0x300];
	v7 =	vmax.f32 v0, v1  }
0x34: {  	v8 =	vld [tilespmem:$0x380];
	v7 =	vmax.f32 v7, v2  }
0x35: {  	v7 =	vmax.f32 v7, v3  }
0x36: {  	v7 =	vmax.f32 v7, v4  }
0x37: {  	v7 =	vmax.f32 v7, v5  }
0x38: {  	v7 =	vmax.f32 v7, v6  }
0x39: {  	v7 =	vmax.f32 v7, v8  }
0x3a: {  	v0 =	vsub.f32 v0, v7  }
0x3b: {  	v1 =	vsub.f32 v1, v7  }
0x3c: {  	v2 =	vsub.f32 v2, v7;
	v0 =	vmul.f32 $1.442695020e+00, v0  }
0x3d: {  	v3 =	vsub.f32 v3, v7;
	v1 =	vmul.f32 $1.442695020e+00, v1  }
0x3e: {  	v4 =	vsub.f32 v4, v7;
	v2 =	vmul.f32 $1.442695020e+00, v2;
	(erf) = vpow2.f32 v0  }
0x3f: {  	v0 =	vmul.f32 $1.442695020e+00, v3;
	v3 =	vsub.f32 v5, v7;
	(erf) = vpow2.f32 v1  }
0x40: {  	v54 =	vsub.f32 v6, v7;
	v1 =	vmul.f32 $1.442695020e+00, v4;
	(erf) = vpow2.f32 v2  }
0x41: {  	v2 =	vsub.f32 v8, v7;
	v3 =	vmul.f32 $1.442695020e+00, v3;
	(erf) = vpow2.f32 v0  }
0x42: {  	v0 =	vmul.f32 $1.442695020e+00, v54;
	(erf) = vpow2.f32 v1  }
0x43: {  	v1 =	vmul.f32 $1.442695020e+00, v2;
	(erf) = vpow2.f32 v3  }
0x44: {  	(erf) = vpow2.f32 v0  }
0x45: {  	(erf) = vpow2.f32 v1;
	_ =	sdelay $0x1  }
0x46: {  	v1 =	vpop (erf)  }
0x47: {  	v2 =	vpop (erf)  }
0x48: {  	v0 =	vmax.f32 v1, v2;
	v3 =	vpop (erf)  }
0x49: {  	v0 =	vmax.f32 v0, v3;
	v55 =	vpop (erf)  }
0x4a: {  	v0 =	vmax.f32 v0, v55;
	v56 =	vpop (erf)  }
0x4b: {  	v0 =	vmax.f32 v0, v56;
	v57 =	vpop (erf)  }
0x4c: {  	v0 =	vmax.f32 v0, v57;
	v58 =	vpop (erf)  }
0x4d: {  	v0 =	vmax.f32 v0, v58;
	v59 =	vpop (erf)  }
0x4e: {  	v9 =	vmax.f32 v0, v59  }
0x4f: {  	v0 =	vimm.s32 $0x7;
	vm0 =	veq.f32 v58, v9  }
0x50: {  	vm1 =	veq.f32 v57, v9;
	v10 =	vsel vm0, $0x6, v0  }
0x51: {  	vm8 =	veq.f32 v56, v9;
	v10 =	vsel vm1, $0x5, v10  }
0x52: {  	vm9 =	veq.f32 v55, v9;
	v10 =	vsel vm8, $0x4, v10  }
0x53: {  	vm10 =	veq.f32 v3, v9;
	v10 =	vsel vm9, $0x3, v10  }
0x54: {  	vm11 =	veq.f32 v2, v9;
	v10 =	vsel vm10, $0x2, v10  }
0x55: {  	vm7 =	vne.f32 v1, v9;
	v10 =	vsel vm11, $0x1, v10  }
0x56: {  	vm6 =	vmand vm7, vm11;
	v10 =	vnsel vm7, $0x0, v10  }
0x57: {  	v1 =	vnsel vm7, $0xBF800000, v1;
	v2 =	vsel vm6, $0xBF800000, v2;
	vm5 =	veq.s32 v10, $0x2  }
0x58: {  	v11 =	vmax.f32 v1, v2;
	vm4 =	veq.s32 v10, $0x3;
	v3 =	vsel vm5, $0xBF800000, v3  }
0x59: {  	vm3 =	veq.s32 v10, $0x4;
	v4 =	vsel vm4, $0xBF800000, v55;
	v11 =	vmax.f32 v11, v3  }
0x5a: {  	vm2 =	veq.s32 v10, $0x5;
	v5 =	vsel vm3, $0xBF800000, v56;
	v11 =	vmax.f32 v11, v4  }
0x5b: {  	vm1 =	veq.s32 v10, $0x6;
	v6 =	vsel vm2, $0xBF800000, v57;
	v11 =	vmax.f32 v11, v5  }
0x5c: {  	vm0 =	veq.s32 v10, $0x7;
	v7 =	vsel vm1, $0xBF800000, v58;
	v60 =	vmax.f32 v11, v6  }
0x5d: {  	v8 =	vsel vm0, $0xBF800000, v59;
	v10 =	vmax.f32 v60, v7  }
0x5e: {  	v8 =	vmax.f32 v10, v8  }
0x5f: {  	v10 =	vadd.f32 v8, v9;
	_ =	sdelay $0x1  }
0x60: {  	(erf) = vrcp.f32 v10;
	_ =	sdelay $0x8  }
0x61: {  	v10 =	vpop (erf)  }
0x62: {  	v9 =	vmul.f32 v10, v9;
	v10 =	vmul.f32 v10, v8  }
0x63: {  	vm8 =	vne.f32 v1, v8  }
0x64: {  	v1 =	vsel vm7, $0x0, v9;
	v61 =	vsel vm8, $0x0, v10  }
0x65: {  	vm12 =	veq.f32 v7, v8;
	v1 =	vadd.f32 v61, v1  }
0x66: {  	s31 =	sadd.s32 $0x1800, s15;
	vm9 =	veq.f32 v6, v8;
	vm13 =	veq.f32 v5, v8;
	v62 =	vsel vm12, $0x6, v0  }
0x67: {  	s15 =	sadd.s32 s31, s16;
	s16 =	simm.s32 $0x400;
	vm10 =	veq.f32 v4, v8;
	vm14 =	veq.f32 v2, v8;
	v63 =	vsel vm9, $0x5, v62;
	[tilespmem:$0x400] =	vst v1  }
0x68: {  	vm11 =	veq.f32 v3, v8;
	vm15 =	vmand vm8, vm14;
	v1 =	vsel vm13, $0x4, v63;
	[hbm4b:s15+s2] =	stream.linear.scatter [tilespmem:s16], [sflag:$0x1], $0x10, $0x38;
	[tilespmem:$0x800] =	vst v63  }
0x69: {  	v2 =	vnsel vm6, $0x0, v9;
	v3 =	vnsel vm15, $0x0, v10;
	v1 =	vsel vm10, $0x3, v1;
	_ =	swait.ge [sflag:s3], $0x10  }
0x6a: {  	v2 =	vadd.f32 v3, v2;
	v1 =	vsel vm11, $0x2, v1;
	[sflag:s3] =	ssyncset.done $0x0  }
0x6b: {  	v1 =	vsel vm14, $0x1, v1;
	[sflag:s3] =	ssyncadd.s32 $0xFFFFFFF0  }
0x6c: {  	s18 =	simm.s32 $0x480;
	s17 =	sadd.s32 s31, s17;
	v1 =	vnsel vm8, $0x0, v1;
	[tilespmem:$0x480] =	vst v2  }
0x6d: {  	vm10 =	veq.s32 v1, $0x2;
	[hbm4b:s17+s2] =	stream.linear.scatter [tilespmem:s18], [sflag:$0x1], $0x10, $0x38;
	[tilespmem:$0x800] =	vst v63  }
0x6e: {  	v2 =	vnsel vm5, $0x0, v9;
	v3 =	vnsel vm10, $0x0, v10;
	_ =	swait.ge [sflag:s3], $0x10  }
0x6f: {  	v2 =	vadd.f32 v3, v2;
	[sflag:s3] =	ssyncset.done $0x0  }
0x70: {  	[sflag:s3] =	ssyncadd.s32 $0xFFFFFFF0  }
0x71: {  	s20 =	simm.s32 $0x500;
	s19 =	sadd.s32 s31, s19;
	[tilespmem:$0x500] =	vst v2  }
0x72: {  	vm11 =	veq.s32 v1, $0x3;
	[hbm4b:s19+s2] =	stream.linear.scatter [tilespmem:s20], [sflag:$0x1], $0x10, $0x38;
	[tilespmem:$0x800] =	vst v63  }
0x73: {  	v3 =	vnsel vm11, $0x0, v10;
	v2 =	vnsel vm4, $0x0, v9;
	_ =	swait.ge [sflag:s3], $0x10  }
0x74: {  	v2 =	vadd.f32 v3, v2;
	[sflag:s3] =	ssyncset.done $0x0  }
0x75: {  	[sflag:s3] =	ssyncadd.s32 $0xFFFFFFF0  }
0x76: {  	s22 =	simm.s32 $0x580;
	s21 =	sadd.s32 s31, s21;
	[tilespmem:$0x580] =	vst v2  }
0x77: {  	vm12 =	veq.s32 v1, $0x4;
	[hbm4b:s21+s2] =	stream.linear.scatter [tilespmem:s22], [sflag:$0x1], $0x10, $0x38;
	[tilespmem:$0x800] =	vst v63  }
0x78: {  	v3 =	vnsel vm12, $0x0, v10;
	v2 =	vnsel vm3, $0x0, v9;
	_ =	swait.ge [sflag:s3], $0x10  }
0x79: {  	v2 =	vadd.f32 v3, v2;
	[sflag:s3] =	ssyncset.done $0x0  }
0x7a: {  	[sflag:s3] =	ssyncadd.s32 $0xFFFFFFF0  }
0x7b: {  	s24 =	simm.s32 $0x600;
	s23 =	sadd.s32 s31, s23;
	[tilespmem:$0x600] =	vst v2  }
0x7c: {  	vm13 =	veq.s32 v1, $0x5;
	[hbm4b:s23+s2] =	stream.linear.scatter [tilespmem:s24], [sflag:$0x1], $0x10, $0x38;
	[tilespmem:$0x800] =	vst v63  }
0x7d: {  	v3 =	vnsel vm13, $0x0, v10;
	v2 =	vnsel vm2, $0x0, v9;
	_ =	swait.ge [sflag:s3], $0x10  }
0x7e: {  	v2 =	vadd.f32 v3, v2;
	[sflag:s3] =	ssyncset.done $0x0  }
0x7f: {  	s1 =	ssub.s32 $0x2, s1;
	[sflag:s3] =	ssyncadd.s32 $0xFFFFFFF0  }
0x80: {  	s29 =	sshrl.u32 s1, $0x1;
	s26 =	simm.s32 $0x680;
	s25 =	sadd.s32 s31, s25;
	[tilespmem:$0x680] =	vst v2  }
0x81: {  	vm14 =	veq.s32 v1, $0x6;
	[hbm4b:s25+s2] =	stream.linear.scatter [tilespmem:s26], [sflag:$0x1], $0x10, $0x38;
	[tilespmem:$0x800] =	vst v63  }
0x82: {  	s1 =	ssub.s32 s1, s29;
	v3 =	vnsel vm14, $0x0, v10;
	v2 =	vnsel vm1, $0x0, v9;
	_ =	swait.ge [sflag:s3], $0x10  }
0x83: {  	s1 =	smax.u32 s1, $0x1;
	v2 =	vadd.f32 v3, v2;
	[sflag:s3] =	ssyncset.done $0x0  }
0x84: {  	p0 =	sne.s32 s1, $0x1;
	[sflag:s3] =	ssyncadd.s32 $0xFFFFFFF0  }
.Ltmp0:
0x85: {  	s29 =	simm.s32 $0x700;
	s28 =	sadd.s32 s31, s28;
	[tilespmem:$0x700] =	vst v2;
	(pc) =	sbr.rel @!p0 .LBB2_2-.Ltmp0, $4  }
0x86: {  	[hbm4b:s28+s2] =	stream.linear.scatter [tilespmem:s29], [sflag:$0x1], $0x10, $0x38;
	[tilespmem:$0x800] =	vst v63  }
0x87: {  	vm15 =	veq.s32 v1, $0x7;
	_ =	swait.ge [sflag:s3], $0x10  }
0x88: {  	s30 =	sadd.s32 s31, s30;
	v1 =	vnsel vm0, $0x0, v9;
	v2 =	vnsel vm15, $0x0, v10;
	[sflag:s3] =	ssyncset.done $0x0  }
0x89: {  	s31 =	sadd.s32 $0xFFFFFFFF, s1;
	s1 =	simm.s32 $0x780;
	v1 =	vadd.f32 v2, v1;
	[sflag:s3] =	ssyncadd.s32 $0xFFFFFFF0  }
.LBB2_1:
0x8a: {  	_ = 	snop  }
0x8b: {  	[tilespmem:$0x780] =	vst v1  }
0x8c: {  	[hbm4b:s30+s2] =	stream.linear.scatter [tilespmem:s1], [sflag:$0x1], $0x10, $0x38;
	[tilespmem:$0x800] =	vst v63  }
0x8d: {  	_ =	swait.ge [sflag:s3], $0x10  }
0x8e: {  	[sflag:s3] =	ssyncset.done $0x0  }
0x8f: {  	s0 =	rddreg [dreg:$0x3];
	[sflag:s3] =	ssyncadd.s32 $0xFFFFFFF0  }
0x90: {  	[tilespmem:s2], [sflag:$0x1] =	stream.linear.gather [hbm4b:s0+s2], $0x10, $0x38;
	[tilespmem:$0x800] =	vst v63  }
0x91: {  	_ =	swait.ge [sflag:s3], $0x10  }
0x92: {  	[sflag:s3] =	ssyncset.done $0x0  }
0x93: {  	s0 =	rddreg [dreg:$0x4];
	[sflag:s3] =	ssyncadd.s32 $0xFFFFFFF0  }
0x94: {  	[tilespmem:s4], [sflag:$0x1] =	stream.linear.gather [hbm4b:s0+s2], $0x10, $0x38;
	[tilespmem:$0x800] =	vst v63  }
0x95: {  	_ =	swait.ge [sflag:s3], $0x10  }
0x96: {  	[sflag:s3] =	ssyncset.done $0x0  }
0x97: {  	s0 =	rddreg [dreg:$0x5];
	[sflag:s3] =	ssyncadd.s32 $0xFFFFFFF0  }
0x98: {  	[tilespmem:s5], [sflag:$0x1] =	stream.linear.gather [hbm4b:s0+s2], $0x10, $0x38;
	[tilespmem:$0x800] =	vst v63  }
0x99: {  	_ =	swait.ge [sflag:s3], $0x10  }
0x9a: {  	[sflag:s3] =	ssyncset.done $0x0  }
0x9b: {  	s0 =	rddreg [dreg:$0x6];
	[sflag:s3] =	ssyncadd.s32 $0xFFFFFFF0  }
0x9c: {  	[tilespmem:s6], [sflag:$0x1] =	stream.linear.gather [hbm4b:s0+s2], $0x10, $0x38;
	[tilespmem:$0x800] =	vst v63  }
0x9d: {  	_ =	swait.ge [sflag:s3], $0x10  }
0x9e: {  	[sflag:s3] =	ssyncset.done $0x0  }
0x9f: {  	[sflag:s3] =	ssyncadd.s32 $0xFFFFFFF0  }
0xa0: {  	[tilespmem:s8], [sflag:$0x1] =	stream.linear.gather [hbm4b:s7+s2], $0x10, $0x38;
	[tilespmem:$0x800] =	vst v63  }
0xa1: {  	_ =	swait.ge [sflag:s3], $0x10  }
0xa2: {  	[sflag:s3] =	ssyncset.done $0x0  }
0xa3: {  	[sflag:s3] =	ssyncadd.s32 $0xFFFFFFF0  }
0xa4: {  	[tilespmem:s10], [sflag:$0x1] =	stream.linear.gather [hbm4b:s9+s2], $0x10, $0x38;
	[tilespmem:$0x800] =	vst v63  }
0xa5: {  	_ =	swait.ge [sflag:s3], $0x10  }
0xa6: {  	[sflag:s3] =	ssyncset.done $0x0  }
0xa7: {  	[sflag:s3] =	ssyncadd.s32 $0xFFFFFFF0  }
0xa8: {  	[tilespmem:s12], [sflag:$0x1] =	stream.linear.gather [hbm4b:s11+s2], $0x10, $0x38;
	[tilespmem:$0x800] =	vst v63  }
0xa9: {  	_ =	swait.ge [sflag:s3], $0x10  }
0xaa: {  	[sflag:s3] =	ssyncset.done $0x0  }
0xab: {  	[sflag:s3] =	ssyncadd.s32 $0xFFFFFFF0  }
0xac: {  	[tilespmem:s14], [sflag:$0x1] =	stream.linear.gather [hbm4b:s13+s2], $0x10, $0x38;
	[tilespmem:$0x800] =	vst v63  }
0xad: {  	_ =	swait.ge [sflag:s3], $0x10  }
0xae: {  	[sflag:s3] =	ssyncset.done $0x0  }
0xaf: {  	[sflag:s3] =	ssyncadd.s32 $0xFFFFFFF0  }
0xb0: {  	v1 =	vld [tilespmem:$0x0]  }
0xb1: {  	v2 =	vld [tilespmem:$0x80]  }
0xb2: {  	v3 =	vld [tilespmem:$0x100]  }
0xb3: {  	v4 =	vld [tilespmem:$0x180]  }
0xb4: {  	v5 =	vld [tilespmem:$0x200]  }
0xb5: {  	v6 =	vld [tilespmem:$0x280]  }
0xb6: {  	v7 =	vld [tilespmem:$0x300];
	v8 =	vmax.f32 v1, v2  }
0xb7: {  	v9 =	vld [tilespmem:$0x380];
	v8 =	vmax.f32 v8, v3  }
0xb8: {  	v8 =	vmax.f32 v8, v4  }
0xb9: {  	v8 =	vmax.f32 v8, v5  }
0xba: {  	v8 =	vmax.f32 v8, v6  }
0xbb: {  	v8 =	vmax.f32 v8, v7  }
0xbc: {  	v8 =	vmax.f32 v8, v9  }
0xbd: {  	v1 =	vsub.f32 v1, v8  }
0xbe: {  	v2 =	vsub.f32 v2, v8  }
0xbf: {  	v3 =	vsub.f32 v3, v8;
	v1 =	vmul.f32 $1.442695020e+00, v1  }
0xc0: {  	v4 =	vsub.f32 v4, v8;
	v2 =	vmul.f32 $1.442695020e+00, v2  }
0xc1: {  	v5 =	vsub.f32 v5, v8;
	v3 =	vmul.f32 $1.442695020e+00, v3;
	(erf) = vpow2.f32 v1  }
0xc2: {  	v6 =	vsub.f32 v6, v8;
	v4 =	vmul.f32 $1.442695020e+00, v4;
	(erf) = vpow2.f32 v2  }
0xc3: {  	v7 =	vsub.f32 v7, v8;
	v5 =	vmul.f32 $1.442695020e+00, v5;
	(erf) = vpow2.f32 v3  }
0xc4: {  	v1 =	vsub.f32 v9, v8;
	v3 =	vmul.f32 $1.442695020e+00, v6;
	(erf) = vpow2.f32 v4  }
0xc5: {  	v2 =	vmul.f32 $1.442695020e+00, v7;
	(erf) = vpow2.f32 v5  }
0xc6: {  	v1 =	vmul.f32 $1.442695020e+00, v1;
	(erf) = vpow2.f32 v3  }
0xc7: {  	(erf) = vpow2.f32 v2  }
0xc8: {  	(erf) = vpow2.f32 v1;
	_ =	sdelay $0x1  }
0xc9: {  	v1 =	vpop (erf)  }
0xca: {  	v2 =	vpop (erf)  }
0xcb: {  	v3 =	vmax.f32 v1, v2;
	v38 =	vpop (erf)  }
0xcc: {  	v3 =	vmax.f32 v3, v38;
	v39 =	vpop (erf)  }
0xcd: {  	v3 =	vmax.f32 v3, v39;
	v40 =	vpop (erf)  }
0xce: {  	v3 =	vmax.f32 v3, v40;
	v41 =	vpop (erf)  }
0xcf: {  	v3 =	vmax.f32 v3, v41;
	v42 =	vpop (erf)  }
0xd0: {  	v3 =	vmax.f32 v3, v42;
	v43 =	vpop (erf)  }
0xd1: {  	v3 =	vmax.f32 v3, v43  }
0xd2: {  	vm0 =	veq.f32 v42, v3  }
0xd3: {  	vm1 =	veq.f32 v41, v3;
	v10 =	vsel vm0, $0x6, v0  }
0xd4: {  	vm14 =	veq.f32 v40, v3;
	v10 =	vsel vm1, $0x5, v10  }
0xd5: {  	vm13 =	veq.f32 v39, v3;
	v10 =	vsel vm14, $0x4, v10  }
0xd6: {  	vm4 =	veq.f32 v38, v3;
	v10 =	vsel vm13, $0x3, v10  }
0xd7: {  	vm5 =	veq.f32 v2, v3;
	vm2 =	vne.f32 v1, v3;
	v10 =	vsel vm4, $0x2, v10  }
0xd8: {  	vm3 =	vmand vm2, vm5;
	v10 =	vsel vm5, $0x1, v10  }
0xd9: {  	v1 =	vnsel vm2, $0xBF800000, v1;
	v2 =	vsel vm3, $0xBF800000, v2;
	v10 =	vnsel vm2, $0x0, v10  }
0xda: {  	v11 =	vmax.f32 v1, v2;
	vm7 =	veq.s32 v10, $0x2;
	vm5 =	veq.s32 v10, $0x3  }
0xdb: {  	vm0 =	veq.s32 v10, $0x7;
	vm1 =	veq.s32 v10, $0x6;
	v4 =	vsel vm7, $0xBF800000, v38  }
0xdc: {  	vm6 =	veq.s32 v10, $0x4;
	v5 =	vsel vm5, $0xBF800000, v39;
	v44 =	vmax.f32 v11, v4  }
0xdd: {  	vm4 =	veq.s32 v10, $0x5;
	v6 =	vsel vm6, $0xBF800000, v40;
	v10 =	vmax.f32 v44, v5  }
0xde: {  	v7 =	vsel vm4, $0xBF800000, v41;
	v10 =	vmax.f32 v10, v6  }
0xdf: {  	v8 =	vsel vm1, $0xBF800000, v42;
	v10 =	vmax.f32 v10, v7  }
0xe0: {  	v9 =	vsel vm0, $0xBF800000, v43;
	v10 =	vmax.f32 v10, v8  }
0xe1: {  	v9 =	vmax.f32 v10, v9  }
0xe2: {  	v45 =	vadd.f32 v9, v3;
	_ =	sdelay $0x1  }
0xe3: {  	(erf) = vrcp.f32 v45;
	_ =	sdelay $0x8  }
0xe4: {  	vm14 =	vne.f32 v1, v9;
	v1 =	vpop (erf)  }
0xe5: {  	v3 =	vmul.f32 v1, v3;
	v1 =	vmul.f32 v1, v9;
	_ =	sdelay $0x1  }
0xe6: {  	v48 =	vsel vm2, $0x0, v3;
	v49 =	vsel vm14, $0x0, v1  }
0xe7: {  	vm8 =	veq.f32 v8, v9;
	vm12 =	veq.f32 v4, v9;
	v4 =	vadd.f32 v49, v48  }
0xe8: {  	vm9 =	veq.f32 v7, v9;
	v8 =	vsel vm8, $0x6, v0  }
0xe9: {  	vm15 =	veq.f32 v6, v9;
	vm13 =	veq.f32 v2, v9;
	v46 =	vsel vm9, $0x5, v8;
	[tilespmem:$0x400] =	vst v4  }
0xea: {  	vm10 =	veq.f32 v5, v9;
	vm8 =	vmand vm14, vm13;
	v47 =	vsel vm15, $0x4, v46;
	[hbm4b:s15+s2] =	stream.linear.scatter [tilespmem:s16], [sflag:$0x1], $0x10, $0x38;
	[tilespmem:$0x800] =	vst v63  }
0xeb: {  	v2 =	vsel vm10, $0x3, v47;
	v50 =	vnsel vm3, $0x0, v3;
	v51 =	vnsel vm8, $0x0, v1;
	_ =	swait.ge [sflag:s3], $0x10  }
0xec: {  	v2 =	vsel vm12, $0x2, v2;
	v5 =	vadd.f32 v51, v50;
	[sflag:s3] =	ssyncset.done $0x0  }
0xed: {  	v2 =	vsel vm13, $0x1, v2;
	[sflag:s3] =	ssyncadd.s32 $0xFFFFFFF0  }
0xee: {  	v2 =	vnsel vm14, $0x0, v2;
	[tilespmem:$0x480] =	vst v5  }
0xef: {  	vm15 =	veq.s32 v2, $0x2;
	[hbm4b:s17+s2] =	stream.linear.scatter [tilespmem:s18], [sflag:$0x1], $0x10, $0x38;
	[tilespmem:$0x800] =	vst v63  }
0xf0: {  	v52 =	vnsel vm7, $0x0, v3;
	v53 =	vnsel vm15, $0x0, v1;
	_ =	swait.ge [sflag:s3], $0x10  }
0xf1: {  	v55 =	vadd.f32 v53, v52;
	[sflag:s3] =	ssyncset.done $0x0  }
0xf2: {  	[sflag:s3] =	ssyncadd.s32 $0xFFFFFFF0  }
0xf3: {  	[tilespmem:$0x500] =	vst v55  }
0xf4: {  	vm11 =	veq.s32 v2, $0x3;
	[hbm4b:s19+s2] =	stream.linear.scatter [tilespmem:s20], [sflag:$0x1], $0x10, $0x38;
	[tilespmem:$0x800] =	vst v63  }
0xf5: {  	v54 =	vnsel vm5, $0x0, v3;
	v56 =	vnsel vm11, $0x0, v1;
	_ =	swait.ge [sflag:s3], $0x10  }
0xf6: {  	v6 =	vadd.f32 v56, v54;
	[sflag:s3] =	ssyncset.done $0x0  }
0xf7: {  	[sflag:s3] =	ssyncadd.s32 $0xFFFFFFF0  }
0xf8: {  	[tilespmem:$0x580] =	vst v6  }
0xf9: {  	vm12 =	veq.s32 v2, $0x4;
	[hbm4b:s21+s2] =	stream.linear.scatter [tilespmem:s22], [sflag:$0x1], $0x10, $0x38;
	[tilespmem:$0x800] =	vst v63  }
0xfa: {  	v57 =	vnsel vm6, $0x0, v3;
	v58 =	vnsel vm12, $0x0, v1;
	_ =	swait.ge [sflag:s3], $0x10  }
0xfb: {  	v7 =	vadd.f32 v58, v57;
	[sflag:s3] =	ssyncset.done $0x0  }
0xfc: {  	[sflag:s3] =	ssyncadd.s32 $0xFFFFFFF0  }
0xfd: {  	[tilespmem:$0x600] =	vst v7  }
0xfe: {  	vm13 =	veq.s32 v2, $0x5;
	[hbm4b:s23+s2] =	stream.linear.scatter [tilespmem:s24], [sflag:$0x1], $0x10, $0x38;
	[tilespmem:$0x800] =	vst v63  }
0xff: {  	v59 =	vnsel vm4, $0x0, v3;
	v60 =	vnsel vm13, $0x0, v1;
	_ =	swait.ge [sflag:s3], $0x10  }
0x100: {  	v61 =	vadd.f32 v60, v59;
	[sflag:s3] =	ssyncset.done $0x0  }
0x101: {  	[sflag:s3] =	ssyncadd.s32 $0xFFFFFFF0  }
0x102: {  	[tilespmem:$0x680] =	vst v61  }
0x103: {  	vm14 =	veq.s32 v2, $0x6;
	[hbm4b:s25+s2] =	stream.linear.scatter [tilespmem:s26], [sflag:$0x1], $0x10, $0x38;
	[tilespmem:$0x800] =	vst v63  }
0x104: {  	v62 =	vnsel vm1, $0x0, v3;
	v63 =	vnsel vm14, $0x0, v1;
	_ =	swait.ge [sflag:s3], $0x10  }
0x105: {  	vm15 =	veq.s32 v2, $0x7;
	v2 =	vnsel vm0, $0x0, v3;
	v3 =	vadd.f32 v63, v62;
	[sflag:s3] =	ssyncset.done $0x0  }
0x106: {  	p0 =	sne.s32 s31, $0x1;
	[sflag:s3] =	ssyncadd.s32 $0xFFFFFFF0  }
.Ltmp1:
0x107: {  	[tilespmem:$0x700] =	vst v3;
	(pc) =	sbr.rel @p0 .LBB2_1-.Ltmp1, $4  }
0x108: {  	[hbm4b:s28+s2] =	stream.linear.scatter [tilespmem:s29], [sflag:$0x1], $0x10, $0x38;
	[tilespmem:$0x800] =	vst v63  }
0x109: {  	_ =	swait.ge [sflag:s3], $0x10  }
0x10a: {  	v1 =	vnsel vm15, $0x0, v1;
	[sflag:s3] =	ssyncset.done $0x0  }
0x10b: {  	s31 =	sadd.s32 $0xFFFFFFFF, s31;
	v1 =	vadd.f32 v1, v2;
	[sflag:s3] =	ssyncadd.s32 $0xFFFFFFF0  }
.LBB2_2:
0x10c: {  	_ = 	snop  }
0x10d: {  	[tilespmem:$0x780] =	vst v1  }
0x10e: {  	[hbm4b:s30+s2] =	stream.linear.scatter [tilespmem:s1], [sflag:$0x1], $0x10, $0x38;
	[tilespmem:$0x800] =	vst v63  }
0x10f: {  	_ =	swait.ge [sflag:s3], $0x10  }
0x110: {  	[sflag:s3] =	ssyncset.done $0x0  }
0x111: {  	[sflag:s3] =	ssyncadd.s32 $0xFFFFFFF0  }
0x112: {  	_ =	sfence.sel $0x180000  }
0x113: {  	[bflag:$0x0] =	sbarrier.arrive $0xFFFF  }
0x114: {  	_ =	strace $0x90000047  }
0x115: {  	s0 =	stileid.u32;
	[bflag:$0x2] =	sbarrier.arrive $0xFFFF  }
0x116: {  	p0 =	sne.s32 s0, $0x0;
	s0 =	rddreg [dreg:$0x2]  }
0x117: {  	s0 =	sadd.s32 @!p0 $0x100000, s0  }
0x118: {  	[sflag:s0] =	ssyncadd.tile.s32 @!p0 $0x1;
	_ =	shalt  }
.Lfunc_end2:
_tile_overlayer_lowered:
.L_overlay_start_2:
0x119: {  	(tag) =	ssettag $0x2  }
0x11a: {  	s0 =	rddreg [dreg:$0x0];
	s2 =	stileid.u32  }
0x11b: {  	s1 =	rddreg [dreg:$0x1];
	p0 =	sne.s32 s2, $0x0  }
0x11c: {  	s3 =	rddreg [dreg:$0x2];
	[bflag:$0x3] =	sbarrier.arrive $0xFFFF;
	s2 =	simm.s32 @!p0 $0x1C01  }
0x11d: {  	[timem:s3], [sflag:s2] =	dma.local @!p0 [hbm:s0], s1  }
0x11e: {  	s0 =	simm.s32 @!p0 $0x1  }
0x11f: {  	_ =	swait.ge @!p0 [sflag:s0], s1  }
0x120: {  	s1 =	ssub.s32 @!p0 $0x0, s1;
	[sflag:s0] =	ssyncset.done @!p0 $0x0  }
0x121: {  	[sflag:s0] =	ssyncadd.s32 @!p0 s1  }
0x122: {  	[bflag:$0x3] =	sbarrier.arrive $0xFFFF  }
0x123: {  	_ =	shalt  }

</sc_bundles>
